<compile_context>
chip_gen: v7x
topology: tpu7x:2x2x1
jax: 0.10.2.dev20260603
libtpu: 0.0.44.dev20260713+nightly
codegen_flags: <defaults>
</compile_context>

<pallas_src>
import functools

import jax
import jax.numpy as jnp
from jax import lax
from jax.experimental import pallas as pl
from jax.experimental.pallas import tpu as pltpu
from jax.experimental.pallas import tpu_sc as plsc

N = 10000
E = 320000
F = 128

NC, NS = 2, 16
NW = NC * NS
BK = 128

NP = 10240
ROWS_PER_TILE = NP // NS

E_PAD = 323584
NBLK = E_PAD // (NW * BK)

_mesh = plsc.VectorSubcoreMesh(core_axis_name="c", subcore_axis_name="s")


@functools.partial(
    pl.kernel,
    mesh=_mesh,
    out_type=jax.ShapeDtypeStruct((NC, NP), jnp.float32),
    scratch_types=[
        pltpu.VMEM((BK,), jnp.int32),
        pltpu.VMEM((BK,), jnp.int32),
        pltpu.VMEM((BK,), jnp.float32),
        pltpu.VMEM_SHARED((NP,), jnp.float32),
        pltpu.SemaphoreType.DMA,
        pltpu.SemaphoreType.DMA,
    ],
)
def _sc_degree(rows_hbm, zeros_hbm, ones_hbm, deg_hbm,
               idx0_v, idx1_v, ones_v, hist_s, sem0, sem1):
    idx = (idx0_v, idx1_v)
    sems = (sem0, sem1)
    cid = lax.axis_index("c")
    sid = lax.axis_index("s")
    wid = cid * NS + sid
    share = sid * ROWS_PER_TILE
    pltpu.sync_copy(ones_hbm, ones_v)
    pltpu.sync_copy(zeros_hbm, hist_s.at[pl.ds(share, ROWS_PER_TILE)])
    plsc.subcore_barrier()

    def ebase(i):
        return pl.multiple_of((wid * NBLK + i) * BK, BK)

    pltpu.async_copy(rows_hbm.at[pl.ds(ebase(0), BK)], idx[0], sems[0])

    def step(i, b):
        o = 1 - b
        pltpu.async_copy(rows_hbm.at[pl.ds(ebase(i + 1), BK)], idx[o],
                         sems[o])
        pltpu.make_async_copy(
            rows_hbm.at[pl.ds(ebase(i), BK)], idx[b], sems[b]).wait()
        pltpu.sync_copy(ones_v, hist_s.at[idx[b]], add=True)

    def body(j, carry):
        step(2 * j, 0)
        step(2 * j + 1, 1)
        return carry

    lax.fori_loop(0, (NBLK - 1) // 2, body, 0)
    pltpu.make_async_copy(
        rows_hbm.at[pl.ds(ebase(NBLK - 1), BK)], idx[0], sems[0]).wait()
    pltpu.sync_copy(ones_v, hist_s.at[idx[0]], add=True)
    plsc.subcore_barrier()
    pltpu.sync_copy(hist_s.at[pl.ds(share, ROWS_PER_TILE)],
                    deg_hbm.at[cid, pl.ds(share, ROWS_PER_TILE)])


@functools.partial(
    pl.kernel,
    mesh=_mesh,
    out_type=jax.ShapeDtypeStruct((NC, NP, F), jnp.float32),
    scratch_types=[
        pltpu.VMEM((BK,), jnp.int32),
        pltpu.VMEM((BK,), jnp.int32),
        pltpu.VMEM((BK,), jnp.int32),
        pltpu.VMEM((BK,), jnp.int32),
        pltpu.VMEM((BK, F), jnp.float32),
        pltpu.VMEM((BK, F), jnp.float32),
        pltpu.VMEM_SHARED((NP, F), jnp.float32),
        pltpu.SemaphoreType.DMA,
        pltpu.SemaphoreType.DMA,
        pltpu.SemaphoreType.DMA,
        pltpu.SemaphoreType.DMA,
    ],
)
def _sc_aggregate(h2_hbm, rows_hbm, cols_hbm, zeros_hbm, out_hbm,
                  idxc0_v, idxc1_v, idxr0_v, idxr1_v, rows0_v, rows1_v,
                  acc_s, semc0, semc1, semg0, semg1):
    idxc = (idxc0_v, idxc1_v)
    idxr = (idxr0_v, idxr1_v)
    rows = (rows0_v, rows1_v)
    semc = (semc0, semc1)
    semg = (semg0, semg1)
    cid = lax.axis_index("c")
    sid = lax.axis_index("s")
    wid = cid * NS + sid
    share = sid * ROWS_PER_TILE
    pltpu.sync_copy(zeros_hbm, acc_s.at[pl.ds(share, ROWS_PER_TILE)])
    plsc.subcore_barrier()

    def ebase(i):
        return pl.multiple_of((wid * NBLK + i) * BK, BK)

    pltpu.async_copy(cols_hbm.at[pl.ds(ebase(0), BK)], idxc[0], semc[0])
    pltpu.async_copy(cols_hbm.at[pl.ds(ebase(1), BK)], idxc[1], semc[1])

    def gwait(b):
        pltpu.make_async_copy(h2_hbm.at[idxc[b]], rows[b], semg[b]).wait()

    def fire(i, b):
        pltpu.make_async_copy(
            cols_hbm.at[pl.ds(ebase(i), BK)], idxc[b], semc[b]).wait()
        g = pltpu.async_copy(h2_hbm.at[idxc[b]], rows[b], semg[b])
        pltpu.sync_copy(rows_hbm.at[pl.ds(ebase(i), BK)], idxr[b])
        return g

    def drain(i, b):
        def refill():
            pltpu.async_copy(cols_hbm.at[pl.ds(ebase(i + 2), BK)], idxc[b],
                             semc[b])
        pl.when(i + 2 < NBLK)(refill)
        pltpu.sync_copy(rows[b], acc_s.at[idxr[b]], add=True)

    fire(0, 0)

    def body(j, carry):
        fire(2 * j + 1, 1)
        gwait(0)
        drain(2 * j, 0)
        fire(2 * j + 2, 0)
        gwait(1)
        drain(2 * j + 1, 1)
        return carry

    lax.fori_loop(0, (NBLK - 1) // 2, body, 0)
    gwait(0)
    pltpu.sync_copy(rows[0], acc_s.at[idxr[0]], add=True)
    plsc.subcore_barrier()
    pltpu.sync_copy(acc_s.at[pl.ds(share, ROWS_PER_TILE)],
                    out_hbm.at[cid, pl.ds(share, ROWS_PER_TILE)])


def _dis_block(degt_blk):
    return lax.rsqrt(jnp.maximum(degt_blk, 1.0))


def _tc_scale_body(x_ref, w_ref, degt_ref, h2_ref):
    dis = _dis_block(degt_ref[...])
    h2_ref[...] = jnp.dot(x_ref[...], w_ref[...],
                          preferred_element_type=jnp.float32) * dis


def _tc_combine_body(q_ref, degt_ref, out_ref):
    dis = _dis_block(degt_ref[...])
    out_ref[...] = (q_ref[0] + q_ref[1]) * dis


_TCB = 1024

_tc_scale = pl.pallas_call(
    _tc_scale_body,
    grid=(NP // _TCB,),
    in_specs=[
        pl.BlockSpec((_TCB, F), lambda i: (i, 0)),
        pl.BlockSpec((F, F), lambda i: (0, 0)),
        pl.BlockSpec((_TCB, 1), lambda i: (i, 0)),
    ],
    out_specs=pl.BlockSpec((_TCB, F), lambda i: (i, 0)),
    out_shape=jax.ShapeDtypeStruct((NP, F), jnp.float32),
)

_tc_combine = pl.pallas_call(
    _tc_combine_body,
    grid=(NP // _TCB,),
    in_specs=[
        pl.BlockSpec((NC, _TCB, F), lambda i: (0, i, 0)),
        pl.BlockSpec((_TCB, 1), lambda i: (i, 0)),
    ],
    out_specs=pl.BlockSpec((_TCB, F), lambda i: (i, 0)),
    out_shape=jax.ShapeDtypeStruct((NP, F), jnp.float32),
)


@jax.jit
def kernel(x, edge_index, weight):
    row = edge_index[0]
    col = edge_index[1]
    rp = jnp.pad(row, (0, E_PAD - E), constant_values=N)
    cp = jnp.pad(col, (0, E_PAD - E), constant_values=N)
    xp = jnp.pad(x, ((0, NP - N), (0, 0)))

    zeros_deg = jnp.zeros((ROWS_PER_TILE,), jnp.float32)
    ones_blk = jnp.ones((BK,), jnp.float32)
    degp = _sc_degree(rp, zeros_deg, ones_blk)
    degt = (degp[0] + degp[1])[:, None]

    h2 = _tc_scale(xp, weight, degt)

    zeros_rows = jnp.zeros((ROWS_PER_TILE, F), jnp.float32)
    q = _sc_aggregate(h2, rp, cp, zeros_rows)

    out = _tc_combine(q, degt)
    return out[:N]

# --- scband reference (transcript-rebuilt; emitter-appended) ---
"""Pipeline reference for scband-graph-convolution-10900626998074 (READ-ONLY COPY).

The authoritative reference and input builder live on the scoring server;
editing this copy changes nothing except your own understanding.
"""

import jax, jax.numpy as jnp
import numpy as np

NUM_NODES = 10000
NUM_EDGES = 320000
IN_FEATURES = 128
OUT_FEATURES = 128


def setup_inputs(seed: int = 0) -> dict:
    key = jax.random.key(seed)
    k1, k2, k3 = jax.random.split(key, 3)
    x = jax.random.normal(k1, (NUM_NODES, IN_FEATURES), dtype=jnp.float32)
    edge_index = jax.random.randint(k2, (2, NUM_EDGES), 0, NUM_NODES, dtype=jnp.int32)
    # xavier_normal_ init for weight [in_features, out_features]
    std = float(np.sqrt(2.0 / (IN_FEATURES + OUT_FEATURES)))
    weight = jax.random.normal(k3, (IN_FEATURES, OUT_FEATURES), dtype=jnp.float32) * std
    return {"x": x, "edge_index": edge_index, "weight": weight}


def reference(x, edge_index, weight):
    # H' = x @ W
    h = jnp.matmul(x, weight)
    num_nodes = h.shape[0]
    row = edge_index[0]
    col = edge_index[1]
    # degree via scatter-add of ones on row (dst) indices
    deg = jnp.zeros((num_nodes,), dtype=h.dtype).at[row].add(jnp.ones((row.shape[0],), dtype=h.dtype))
    deg = jnp.clip(deg, 1.0, None)
    deg_inv_sqrt = deg ** (-0.5)
    deg_inv_sqrt = jnp.where(jnp.isinf(deg_inv_sqrt), 0.0, deg_inv_sqrt)
    norm = deg_inv_sqrt[row] * deg_inv_sqrt[col]
    # aggr == 'mean' branch: out.index_add_(0, row, x[col] * norm.unsqueeze(1))
    msgs = h[col] * norm[:, None]
    out = jnp.zeros((num_nodes, weight.shape[1]), dtype=h.dtype).at[row].add(msgs)
    return out

if __name__ == "__main__":
    import jax
    _d = setup_inputs()
    print(jax.jit(kernel)(*tuple(_d.values())))

</pallas_src>

<mosaic_0001>
#map = affine_map<(d0, d1) -> (0)>
#map1 = affine_map<(d0, d1) -> (0, 0)>
module attributes {stable_mosaic.version = 14 : i64} {
  func.func @_sc_degree(%arg0: i32, %arg1: i32, %arg2: memref<323584xi32, #tpu.memory_space<hbm>>, %arg3: memref<640xf32, #tpu.memory_space<hbm>>, %arg4: memref<128xf32, #tpu.memory_space<hbm>>, %arg5: memref<2x10240xf32, #tpu.memory_space<hbm>>, %arg6: memref<128xi32, #tpu.memory_space<vmem>>, %arg7: memref<128xi32, #tpu.memory_space<vmem>>, %arg8: memref<128xf32, #tpu.memory_space<vmem>>, %arg9: memref<10240xf32, #tpu.memory_space<vmem_shared>>, %arg10: memref<!tpu.dma_semaphore, #tpu.memory_space<semaphore_mem>>, %arg11: memref<!tpu.dma_semaphore, #tpu.memory_space<semaphore_mem>>) attributes {dimension_semantics = [#tpu.dimension_semantics<core_parallel>, #tpu.dimension_semantics<subcore_parallel>], iteration_bounds = array<i64: 2, 16>, scalar_prefetch = 0 : i64, scratch_operands = 6 : i64, tpu.core_type = #tpu.core_type<sc_vector_subcore>, window_params = [{transform_indices = #map}, {transform_indices = #map}, {transform_indices = #map}, {transform_indices = #map1}]} {
    %mul3A = arith.constant 16 : i32
    %mul3A_0 = arith.muli %arg0, %mul3A : i32
    %add3A = arith.addi %mul3A_0, %arg1 : i32
    %mul3A_1 = arith.constant 640 : i32
    %mul3A_2 = arith.muli %arg1, %mul3A_1 : i32
    "tpu.region"() ({
      %run_scoped3A = tpu.sem_alloc : memref<!tpu.dma_semaphore, #tpu.memory_space<semaphore_mem>>
      tpu.enqueue_dma source(%arg4 : memref<128xf32, #tpu.memory_space<hbm>>) target(%arg8 : memref<128xf32, #tpu.memory_space<vmem>>) target_semaphore(%run_scoped3A : memref<!tpu.dma_semaphore, #tpu.memory_space<semaphore_mem>>)
      tpu.wait_dma2 semaphore(%run_scoped3A : memref<!tpu.dma_semaphore, #tpu.memory_space<semaphore_mem>>) src(%arg4 : memref<128xf32, #tpu.memory_space<hbm>>) dst(%arg8 : memref<128xf32, #tpu.memory_space<vmem>>)
      tpu.yield
    }) : () -> ()
    "tpu.region"() ({
      %run_scoped3A = tpu.sem_alloc : memref<!tpu.dma_semaphore, #tpu.memory_space<semaphore_mem>>
      %dma_start3A_24 = tpu.memref_slice %arg9[%mul3A_2] : memref<10240xf32, #tpu.memory_space<vmem_shared>> -> memref<640xf32, #tpu.memory_space<vmem_shared>>
      tpu.enqueue_dma source(%arg3 : memref<640xf32, #tpu.memory_space<hbm>>) target(%dma_start3A_24 : memref<640xf32, #tpu.memory_space<vmem_shared>>) target_semaphore(%run_scoped3A : memref<!tpu.dma_semaphore, #tpu.memory_space<semaphore_mem>>)
      %dma_wait3A_25 = tpu.memref_slice %arg9[%mul3A_2] : memref<10240xf32, #tpu.memory_space<vmem_shared>> -> memref<640xf32, #tpu.memory_space<vmem_shared>>
      tpu.wait_dma2 semaphore(%run_scoped3A : memref<!tpu.dma_semaphore, #tpu.memory_space<semaphore_mem>>) src(%arg3 : memref<640xf32, #tpu.memory_space<hbm>>) dst(%dma_wait3A_25 : memref<640xf32, #tpu.memory_space<vmem_shared>>)
      tpu.yield
    }) : () -> ()
    %barrier3A = arith.constant 0 : index
    tpu.barrier barrier_id(%barrier3A)
    %mul3A_3 = arith.constant 79 : i32
    %mul3A_4 = arith.muli %add3A, %mul3A_3 : i32
    %add3A_5 = arith.constant 0 : i32
    %add3A_6 = arith.addi %mul3A_4, %add3A_5 : i32
    %mul3A_7 = arith.constant 128 : i32
    %mul3A_8 = arith.muli %add3A_6, %mul3A_7 : i32
    %multiple_of3A = tpu.assume_multiple %mul3A_8, 128 : i32
    %dma_start3A = tpu.memref_slice %arg2[%multiple_of3A] : memref<323584xi32, #tpu.memory_space<hbm>> -> memref<128xi32, #tpu.memory_space<hbm>>
    %dma_start3A_9 = tpu.memref_slice %arg2[%multiple_of3A] : memref<323584xi32, #tpu.memory_space<hbm>> -> memref<128xi32, #tpu.memory_space<hbm>>
    tpu.enqueue_dma source(%dma_start3A_9 : memref<128xi32, #tpu.memory_space<hbm>>) target(%arg6 : memref<128xi32, #tpu.memory_space<vmem>>) target_semaphore(%arg10 : memref<!tpu.dma_semaphore, #tpu.memory_space<semaphore_mem>>)
    %scan3A = arith.constant 0 : i32
    %scan3A_10 = arith.constant 0 : i32
    %scan3A_11 = arith.constant 39 : i32
    %scan3A_12 = arith.addi %scan3A_10, %scan3A_11 : i32
    %scan3A_13 = arith.constant 1 : i32
    scf.for %scan3A_24 = %scan3A_10 to %scan3A_12 step %scan3A_13  : i32 {
      %mul3A_25 = arith.constant 2 : i32
      %mul3A_26 = arith.muli %mul3A_25, %scan3A_24 : i32
      %add3A_27 = arith.constant 1 : i32
      %add3A_28 = arith.addi %mul3A_26, %add3A_27 : i32
      %mul3A_29 = arith.constant 79 : i32
      %mul3A_30 = arith.muli %add3A, %mul3A_29 : i32
      %add3A_31 = arith.addi %mul3A_30, %add3A_28 : i32
      %mul3A_32 = arith.constant 128 : i32
      %mul3A_33 = arith.muli %add3A_31, %mul3A_32 : i32
      %multiple_of3A_34 = tpu.assume_multiple %mul3A_33, 128 : i32
      %dma_start3A_35 = tpu.memref_slice %arg2[%multiple_of3A_34] : memref<323584xi32, #tpu.memory_space<hbm>> -> memref<128xi32, #tpu.memory_space<hbm>>
      %dma_start3A_36 = tpu.memref_slice %arg2[%multiple_of3A_34] : memref<323584xi32, #tpu.memory_space<hbm>> -> memref<128xi32, #tpu.memory_space<hbm>>
      tpu.enqueue_dma source(%dma_start3A_36 : memref<128xi32, #tpu.memory_space<hbm>>) target(%arg7 : memref<128xi32, #tpu.memory_space<vmem>>) target_semaphore(%arg11 : memref<!tpu.dma_semaphore, #tpu.memory_space<semaphore_mem>>)
      %mul3A_37 = arith.constant 79 : i32
      %mul3A_38 = arith.muli %add3A, %mul3A_37 : i32
      %add3A_39 = arith.addi %mul3A_38, %mul3A_26 : i32
      %mul3A_40 = arith.constant 128 : i32
      %mul3A_41 = arith.muli %add3A_39, %mul3A_40 : i32
      %multiple_of3A_42 = tpu.assume_multiple %mul3A_41, 128 : i32
      %dma_wait3A_43 = tpu.memref_slice %arg2[%multiple_of3A_42] : memref<323584xi32, #tpu.memory_space<hbm>> -> memref<128xi32, #tpu.memory_space<hbm>>
      %dma_wait3A_44 = tpu.memref_slice %arg2[%multiple_of3A_42] : memref<323584xi32, #tpu.memory_space<hbm>> -> memref<128xi32, #tpu.memory_space<hbm>>
      tpu.wait_dma2 semaphore(%arg10 : memref<!tpu.dma_semaphore, #tpu.memory_space<semaphore_mem>>) src(%dma_wait3A_44 : memref<128xi32, #tpu.memory_space<hbm>>) dst(%arg6 : memref<128xi32, #tpu.memory_space<vmem>>)
      "tpu.region"() ({
        %run_scoped3A = tpu.sem_alloc : memref<!tpu.dma_semaphore, #tpu.memory_space<semaphore_mem>>
        %dma_start3A_67 = arith.constant 0 : i32
        %dma_start3A_68 = tpu.memref_slice %arg9[%dma_start3A_67] : memref<10240xf32, #tpu.memory_space<vmem_shared>> -> memref<10240xf32, #tpu.memory_space<vmem_shared>>
        tpu.enqueue_indirect_dma source(%arg8 : memref<128xf32, #tpu.memory_space<vmem>>) target(%dma_start3A_68 : memref<10240xf32, #tpu.memory_space<vmem_shared>>) offsets(%arg6 : memref<128xi32, #tpu.memory_space<vmem>>) semaphore(%run_scoped3A : memref<!tpu.dma_semaphore, #tpu.memory_space<semaphore_mem>>) {add = true}
        %dma_wait3A_69 = arith.constant 0 : i32
        %dma_wait3A_70 = tpu.memref_slice %arg9[%dma_wait3A_69] : memref<10240xf32, #tpu.memory_space<vmem_shared>> -> memref<10240xf32, #tpu.memory_space<vmem_shared>>
        tpu.wait_indirect_dma semaphore(%run_scoped3A : memref<!tpu.dma_semaphore, #tpu.memory_space<semaphore_mem>>) src(%arg8 : memref<128xf32, #tpu.memory_space<vmem>>) dst(%dma_wait3A_70 : memref<10240xf32, #tpu.memory_space<vmem_shared>>)
        tpu.yield
      }) : () -> ()
      %mul3A_45 = arith.constant 2 : i32
      %mul3A_46 = arith.muli %mul3A_45, %scan3A_24 : i32
      %add3A_47 = arith.constant 1 : i32
      %add3A_48 = arith.addi %mul3A_46, %add3A_47 : i32
      %add3A_49 = arith.constant 1 : i32
      %add3A_50 = arith.addi %add3A_48, %add3A_49 : i32
      %mul3A_51 = arith.constant 79 : i32
      %mul3A_52 = arith.muli %add3A, %mul3A_51 : i32
      %add3A_53 = arith.addi %mul3A_52, %add3A_50 : i32
      %mul3A_54 = arith.constant 128 : i32
      %mul3A_55 = arith.muli %add3A_53, %mul3A_54 : i32
      %multiple_of3A_56 = tpu.assume_multiple %mul3A_55, 128 : i32
      %dma_start3A_57 = tpu.memref_slice %arg2[%multiple_of3A_56] : memref<323584xi32, #tpu.memory_space<hbm>> -> memref<128xi32, #tpu.memory_space<hbm>>
      %dma_start3A_58 = tpu.memref_slice %arg2[%multiple_of3A_56] : memref<323584xi32, #tpu.memory_space<hbm>> -> memref<128xi32, #tpu.memory_space<hbm>>
      tpu.enqueue_dma source(%dma_start3A_58 : memref<128xi32, #tpu.memory_space<hbm>>) target(%arg6 : memref<128xi32, #tpu.memory_space<vmem>>) target_semaphore(%arg10 : memref<!tpu.dma_semaphore, #tpu.memory_space<semaphore_mem>>)
      %mul3A_59 = arith.constant 79 : i32
      %mul3A_60 = arith.muli %add3A, %mul3A_59 : i32
      %add3A_61 = arith.addi %mul3A_60, %add3A_48 : i32
      %mul3A_62 = arith.constant 128 : i32
      %mul3A_63 = arith.muli %add3A_61, %mul3A_62 : i32
      %multiple_of3A_64 = tpu.assume_multiple %mul3A_63, 128 : i32
      %dma_wait3A_65 = tpu.memref_slice %arg2[%multiple_of3A_64] : memref<323584xi32, #tpu.memory_space<hbm>> -> memref<128xi32, #tpu.memory_space<hbm>>
      %dma_wait3A_66 = tpu.memref_slice %arg2[%multiple_of3A_64] : memref<323584xi32, #tpu.memory_space<hbm>> -> memref<128xi32, #tpu.memory_space<hbm>>
      tpu.wait_dma2 semaphore(%arg11 : memref<!tpu.dma_semaphore, #tpu.memory_space<semaphore_mem>>) src(%dma_wait3A_66 : memref<128xi32, #tpu.memory_space<hbm>>) dst(%arg7 : memref<128xi32, #tpu.memory_space<vmem>>)
      "tpu.region"() ({
        %run_scoped3A = tpu.sem_alloc : memref<!tpu.dma_semaphore, #tpu.memory_space<semaphore_mem>>
        %dma_start3A_67 = arith.constant 0 : i32
        %dma_start3A_68 = tpu.memref_slice %arg9[%dma_start3A_67] : memref<10240xf32, #tpu.memory_space<vmem_shared>> -> memref<10240xf32, #tpu.memory_space<vmem_shared>>
        tpu.enqueue_indirect_dma source(%arg8 : memref<128xf32, #tpu.memory_space<vmem>>) target(%dma_start3A_68 : memref<10240xf32, #tpu.memory_space<vmem_shared>>) offsets(%arg7 : memref<128xi32, #tpu.memory_space<vmem>>) semaphore(%run_scoped3A : memref<!tpu.dma_semaphore, #tpu.memory_space<semaphore_mem>>) {add = true}
        %dma_wait3A_69 = arith.constant 0 : i32
        %dma_wait3A_70 = tpu.memref_slice %arg9[%dma_wait3A_69] : memref<10240xf32, #tpu.memory_space<vmem_shared>> -> memref<10240xf32, #tpu.memory_space<vmem_shared>>
        tpu.wait_indirect_dma semaphore(%run_scoped3A : memref<!tpu.dma_semaphore, #tpu.memory_space<semaphore_mem>>) src(%arg8 : memref<128xf32, #tpu.memory_space<vmem>>) dst(%dma_wait3A_70 : memref<10240xf32, #tpu.memory_space<vmem_shared>>)
        tpu.yield
      }) : () -> ()
    }
    %scan3A_14 = arith.constant 39 : i32
    %mul3A_15 = arith.constant 79 : i32
    %mul3A_16 = arith.muli %add3A, %mul3A_15 : i32
    %add3A_17 = arith.constant 78 : i32
    %add3A_18 = arith.addi %mul3A_16, %add3A_17 : i32
    %mul3A_19 = arith.constant 128 : i32
    %mul3A_20 = arith.muli %add3A_18, %mul3A_19 : i32
    %multiple_of3A_21 = tpu.assume_multiple %mul3A_20, 128 : i32
    %dma_wait3A = tpu.memref_slice %arg2[%multiple_of3A_21] : memref<323584xi32, #tpu.memory_space<hbm>> -> memref<128xi32, #tpu.memory_space<hbm>>
    %dma_wait3A_22 = tpu.memref_slice %arg2[%multiple_of3A_21] : memref<323584xi32, #tpu.memory_space<hbm>> -> memref<128xi32, #tpu.memory_space<hbm>>
    tpu.wait_dma2 semaphore(%arg10 : memref<!tpu.dma_semaphore, #tpu.memory_space<semaphore_mem>>) src(%dma_wait3A_22 : memref<128xi32, #tpu.memory_space<hbm>>) dst(%arg6 : memref<128xi32, #tpu.memory_space<vmem>>)
    "tpu.region"() ({
      %run_scoped3A = tpu.sem_alloc : memref<!tpu.dma_semaphore, #tpu.memory_space<semaphore_mem>>
      %dma_start3A_24 = arith.constant 0 : i32
      %dma_start3A_25 = tpu.memref_slice %arg9[%dma_start3A_24] : memref<10240xf32, #tpu.memory_space<vmem_shared>> -> memref<10240xf32, #tpu.memory_space<vmem_shared>>
      tpu.enqueue_indirect_dma source(%arg8 : memref<128xf32, #tpu.memory_space<vmem>>) target(%dma_start3A_25 : memref<10240xf32, #tpu.memory_space<vmem_shared>>) offsets(%arg6 : memref<128xi32, #tpu.memory_space<vmem>>) semaphore(%run_scoped3A : memref<!tpu.dma_semaphore, #tpu.memory_space<semaphore_mem>>) {add = true}
      %dma_wait3A_26 = arith.constant 0 : i32
      %dma_wait3A_27 = tpu.memref_slice %arg9[%dma_wait3A_26] : memref<10240xf32, #tpu.memory_space<vmem_shared>> -> memref<10240xf32, #tpu.memory_space<vmem_shared>>
      tpu.wait_indirect_dma semaphore(%run_scoped3A : memref<!tpu.dma_semaphore, #tpu.memory_space<semaphore_mem>>) src(%arg8 : memref<128xf32, #tpu.memory_space<vmem>>) dst(%dma_wait3A_27 : memref<10240xf32, #tpu.memory_space<vmem_shared>>)
      tpu.yield
    }) : () -> ()
    %barrier3A_23 = arith.constant 0 : index
    tpu.barrier barrier_id(%barrier3A_23)
    "tpu.region"() ({
      %run_scoped3A = tpu.sem_alloc : memref<!tpu.dma_semaphore, #tpu.memory_space<semaphore_mem>>
      %dma_start3A_24 = tpu.memref_slice %arg5[%arg0, %mul3A_2] : memref<2x10240xf32, #tpu.memory_space<hbm>> -> memref<1x640xf32, #tpu.memory_space<hbm>>
      %dma_start3A_25 = tpu.memref_squeeze %dma_start3A_24 : memref<1x640xf32, #tpu.memory_space<hbm>> -> memref<640xf32, #tpu.memory_space<hbm>>
      %dma_start3A_26 = tpu.memref_slice %arg9[%mul3A_2] : memref<10240xf32, #tpu.memory_space<vmem_shared>> -> memref<640xf32, #tpu.memory_space<vmem_shared>>
      tpu.enqueue_dma source(%dma_start3A_26 : memref<640xf32, #tpu.memory_space<vmem_shared>>) target(%dma_start3A_25 : memref<640xf32, #tpu.memory_space<hbm>>) target_semaphore(%run_scoped3A : memref<!tpu.dma_semaphore, #tpu.memory_space<semaphore_mem>>)
      %dma_wait3A_27 = tpu.memref_slice %arg5[%arg0, %mul3A_2] : memref<2x10240xf32, #tpu.memory_space<hbm>> -> memref<1x640xf32, #tpu.memory_space<hbm>>
      %dma_wait3A_28 = tpu.memref_squeeze %dma_wait3A_27 : memref<1x640xf32, #tpu.memory_space<hbm>> -> memref<640xf32, #tpu.memory_space<hbm>>
      %dma_wait3A_29 = tpu.memref_slice %arg9[%mul3A_2] : memref<10240xf32, #tpu.memory_space<vmem_shared>> -> memref<640xf32, #tpu.memory_space<vmem_shared>>
      tpu.wait_dma2 semaphore(%run_scoped3A : memref<!tpu.dma_semaphore, #tpu.memory_space<semaphore_mem>>) src(%dma_wait3A_29 : memref<640xf32, #tpu.memory_space<vmem_shared>>) dst(%dma_wait3A_28 : memref<640xf32, #tpu.memory_space<hbm>>)
      tpu.yield
    }) : () -> ()
    return
  }
}

#map = affine_map<(d0, d1) -> (0, 0)>
#map1 = affine_map<(d0, d1) -> (0)>
#map2 = affine_map<(d0, d1) -> (0, 0, 0)>
module attributes {stable_mosaic.version = 14 : i64} {
  func.func @_sc_aggregate(%arg0: i32, %arg1: i32, %arg2: memref<10240x128xf32, #tpu.memory_space<hbm>>, %arg3: memref<323584xi32, #tpu.memory_space<hbm>>, %arg4: memref<323584xi32, #tpu.memory_space<hbm>>, %arg5: memref<640x128xf32, #tpu.memory_space<hbm>>, %arg6: memref<2x10240x128xf32, #tpu.memory_space<hbm>>, %arg7: memref<128xi32, #tpu.memory_space<vmem>>, %arg8: memref<128xi32, #tpu.memory_space<vmem>>, %arg9: memref<128xi32, #tpu.memory_space<vmem>>, %arg10: memref<128xi32, #tpu.memory_space<vmem>>, %arg11: memref<128x128xf32, #tpu.memory_space<vmem>>, %arg12: memref<128x128xf32, #tpu.memory_space<vmem>>, %arg13: memref<10240x128xf32, #tpu.memory_space<vmem_shared>>, %arg14: memref<!tpu.dma_semaphore, #tpu.memory_space<semaphore_mem>>, %arg15: memref<!tpu.dma_semaphore, #tpu.memory_space<semaphore_mem>>, %arg16: memref<!tpu.dma_semaphore, #tpu.memory_space<semaphore_mem>>, %arg17: memref<!tpu.dma_semaphore, #tpu.memory_space<semaphore_mem>>) attributes {dimension_semantics = [#tpu.dimension_semantics<core_parallel>, #tpu.dimension_semantics<subcore_parallel>], iteration_bounds = array<i64: 2, 16>, scalar_prefetch = 0 : i64, scratch_operands = 11 : i64, tpu.core_type = #tpu.core_type<sc_vector_subcore>, window_params = [{transform_indices = #map}, {transform_indices = #map1}, {transform_indices = #map1}, {transform_indices = #map}, {transform_indices = #map2}]} {
    %mul3A = arith.constant 16 : i32
    %mul3A_0 = arith.muli %arg0, %mul3A : i32
    %add3A = arith.addi %mul3A_0, %arg1 : i32
    %mul3A_1 = arith.constant 640 : i32
    %mul3A_2 = arith.muli %arg1, %mul3A_1 : i32
    "tpu.region"() ({
      %run_scoped3A = tpu.sem_alloc : memref<!tpu.dma_semaphore, #tpu.memory_space<semaphore_mem>>
      %dma_start3A_46 = arith.constant 0 : i32
      %dma_start3A_47 = tpu.memref_slice %arg13[%mul3A_2, %dma_start3A_46] : memref<10240x128xf32, #tpu.memory_space<vmem_shared>> -> memref<640x128xf32, #tpu.memory_space<vmem_shared>>
      tpu.enqueue_dma source(%arg5 : memref<640x128xf32, #tpu.memory_space<hbm>>) target(%dma_start3A_47 : memref<640x128xf32, #tpu.memory_space<vmem_shared>>) target_semaphore(%run_scoped3A : memref<!tpu.dma_semaphore, #tpu.memory_space<semaphore_mem>>)
      %dma_wait3A_48 = arith.constant 0 : i32
      %dma_wait3A_49 = tpu.memref_slice %arg13[%mul3A_2, %dma_wait3A_48] : memref<10240x128xf32, #tpu.memory_space<vmem_shared>> -> memref<640x128xf32, #tpu.memory_space<vmem_shared>>
      tpu.wait_dma2 semaphore(%run_scoped3A : memref<!tpu.dma_semaphore, #tpu.memory_space<semaphore_mem>>) src(%arg5 : memref<640x128xf32, #tpu.memory_space<hbm>>) dst(%dma_wait3A_49 : memref<640x128xf32, #tpu.memory_space<vmem_shared>>)
      tpu.yield
    }) : () -> ()
    %barrier3A = arith.constant 0 : index
    tpu.barrier barrier_id(%barrier3A)
    %mul3A_3 = arith.constant 79 : i32
    %mul3A_4 = arith.muli %add3A, %mul3A_3 : i32
    %add3A_5 = arith.constant 0 : i32
    %add3A_6 = arith.addi %mul3A_4, %add3A_5 : i32
    %mul3A_7 = arith.constant 128 : i32
    %mul3A_8 = arith.muli %add3A_6, %mul3A_7 : i32
    %multiple_of3A = tpu.assume_multiple %mul3A_8, 128 : i32
    %dma_start3A = tpu.memref_slice %arg4[%multiple_of3A] : memref<323584xi32, #tpu.memory_space<hbm>> -> memref<128xi32, #tpu.memory_space<hbm>>
    %dma_start3A_9 = tpu.memref_slice %arg4[%multiple_of3A] : memref<323584xi32, #tpu.memory_space<hbm>> -> memref<128xi32, #tpu.memory_space<hbm>>
    tpu.enqueue_dma source(%dma_start3A_9 : memref<128xi32, #tpu.memory_space<hbm>>) target(%arg7 : memref<128xi32, #tpu.memory_space<vmem>>) target_semaphore(%arg14 : memref<!tpu.dma_semaphore, #tpu.memory_space<semaphore_mem>>)
    %mul3A_10 = arith.constant 79 : i32
    %mul3A_11 = arith.muli %add3A, %mul3A_10 : i32
    %add3A_12 = arith.constant 1 : i32
    %add3A_13 = arith.addi %mul3A_11, %add3A_12 : i32
    %mul3A_14 = arith.constant 128 : i32
    %mul3A_15 = arith.muli %add3A_13, %mul3A_14 : i32
    %multiple_of3A_16 = tpu.assume_multiple %mul3A_15, 128 : i32
    %dma_start3A_17 = tpu.memref_slice %arg4[%multiple_of3A_16] : memref<323584xi32, #tpu.memory_space<hbm>> -> memref<128xi32, #tpu.memory_space<hbm>>
    %dma_start3A_18 = tpu.memref_slice %arg4[%multiple_of3A_16] : memref<323584xi32, #tpu.memory_space<hbm>> -> memref<128xi32, #tpu.memory_space<hbm>>
    tpu.enqueue_dma source(%dma_start3A_18 : memref<128xi32, #tpu.memory_space<hbm>>) target(%arg8 : memref<128xi32, #tpu.memory_space<vmem>>) target_semaphore(%arg15 : memref<!tpu.dma_semaphore, #tpu.memory_space<semaphore_mem>>)
    %mul3A_19 = arith.constant 79 : i32
    %mul3A_20 = arith.muli %add3A, %mul3A_19 : i32
    %add3A_21 = arith.constant 0 : i32
    %add3A_22 = arith.addi %mul3A_20, %add3A_21 : i32
    %mul3A_23 = arith.constant 128 : i32
    %mul3A_24 = arith.muli %add3A_22, %mul3A_23 : i32
    %multiple_of3A_25 = tpu.assume_multiple %mul3A_24, 128 : i32
    %dma_wait3A = tpu.memref_slice %arg4[%multiple_of3A_25] : memref<323584xi32, #tpu.memory_space<hbm>> -> memref<128xi32, #tpu.memory_space<hbm>>
    %dma_wait3A_26 = tpu.memref_slice %arg4[%multiple_of3A_25] : memref<323584xi32, #tpu.memory_space<hbm>> -> memref<128xi32, #tpu.memory_space<hbm>>
    tpu.wait_dma2 semaphore(%arg14 : memref<!tpu.dma_semaphore, #tpu.memory_space<semaphore_mem>>) src(%dma_wait3A_26 : memref<128xi32, #tpu.memory_space<hbm>>) dst(%arg7 : memref<128xi32, #tpu.memory_space<vmem>>)
    %dma_start3A_27 = arith.constant 0 : i32
    %dma_start3A_28 = arith.constant 0 : i32
    %dma_start3A_29 = tpu.memref_slice %arg2[%dma_start3A_27, %dma_start3A_28] : memref<10240x128xf32, #tpu.memory_space<hbm>> -> memref<10240x128xf32, #tpu.memory_space<hbm>>
    tpu.enqueue_indirect_dma source(%dma_start3A_29 : memref<10240x128xf32, #tpu.memory_space<hbm>>) target(%arg11 : memref<128x128xf32, #tpu.memory_space<vmem>>) offsets(%arg7 : memref<128xi32, #tpu.memory_space<vmem>>) semaphore(%arg16 : memref<!tpu.dma_semaphore, #tpu.memory_space<semaphore_mem>>)
    %mul3A_30 = arith.constant 79 : i32
    %mul3A_31 = arith.muli %add3A, %mul3A_30 : i32
    %add3A_32 = arith.constant 0 : i32
    %add3A_33 = arith.addi %mul3A_31, %add3A_32 : i32
    %mul3A_34 = arith.constant 128 : i32
    %mul3A_35 = arith.muli %add3A_33, %mul3A_34 : i32
    %multiple_of3A_36 = tpu.assume_multiple %mul3A_35, 128 : i32
    "tpu.region"() ({
      %run_scoped3A = tpu.sem_alloc : memref<!tpu.dma_semaphore, #tpu.memory_space<semaphore_mem>>
      %dma_start3A_46 = tpu.memref_slice %arg3[%multiple_of3A_36] : memref<323584xi32, #tpu.memory_space<hbm>> -> memref<128xi32, #tpu.memory_space<hbm>>
      %dma_start3A_47 = tpu.memref_slice %arg3[%multiple_of3A_36] : memref<323584xi32, #tpu.memory_space<hbm>> -> memref<128xi32, #tpu.memory_space<hbm>>
      tpu.enqueue_dma source(%dma_start3A_47 : memref<128xi32, #tpu.memory_space<hbm>>) target(%arg9 : memref<128xi32, #tpu.memory_space<vmem>>) target_semaphore(%run_scoped3A : memref<!tpu.dma_semaphore, #tpu.memory_space<semaphore_mem>>)
      %dma_wait3A_48 = tpu.memref_slice %arg3[%multiple_of3A_36] : memref<323584xi32, #tpu.memory_space<hbm>> -> memref<128xi32, #tpu.memory_space<hbm>>
      %dma_wait3A_49 = tpu.memref_slice %arg3[%multiple_of3A_36] : memref<323584xi32, #tpu.memory_space<hbm>> -> memref<128xi32, #tpu.memory_space<hbm>>
      tpu.wait_dma2 semaphore(%run_scoped3A : memref<!tpu.dma_semaphore, #tpu.memory_space<semaphore_mem>>) src(%dma_wait3A_49 : memref<128xi32, #tpu.memory_space<hbm>>) dst(%arg9 : memref<128xi32, #tpu.memory_space<vmem>>)
      tpu.yield
    }) : () -> ()
    %scan3A = arith.constant 0 : i32
    %scan3A_37 = arith.constant 0 : i32
    %scan3A_38 = arith.constant 39 : i32
    %scan3A_39 = arith.addi %scan3A_37, %scan3A_38 : i32
    %scan3A_40 = arith.constant 1 : i32
    scf.for %scan3A_46 = %scan3A_37 to %scan3A_39 step %scan3A_40  : i32 {
      %mul3A_47 = arith.constant 2 : i32
      %mul3A_48 = arith.muli %mul3A_47, %scan3A_46 : i32
      %add3A_49 = arith.constant 1 : i32
      %add3A_50 = arith.addi %mul3A_48, %add3A_49 : i32
      %mul3A_51 = arith.constant 79 : i32
      %mul3A_52 = arith.muli %add3A, %mul3A_51 : i32
      %add3A_53 = arith.addi %mul3A_52, %add3A_50 : i32
      %mul3A_54 = arith.constant 128 : i32
      %mul3A_55 = arith.muli %add3A_53, %mul3A_54 : i32
      %multiple_of3A_56 = tpu.assume_multiple %mul3A_55, 128 : i32
      %dma_wait3A_57 = tpu.memref_slice %arg4[%multiple_of3A_56] : memref<323584xi32, #tpu.memory_space<hbm>> -> memref<128xi32, #tpu.memory_space<hbm>>
      %dma_wait3A_58 = tpu.memref_slice %arg4[%multiple_of3A_56] : memref<323584xi32, #tpu.memory_space<hbm>> -> memref<128xi32, #tpu.memory_space<hbm>>
      tpu.wait_dma2 semaphore(%arg15 : memref<!tpu.dma_semaphore, #tpu.memory_space<semaphore_mem>>) src(%dma_wait3A_58 : memref<128xi32, #tpu.memory_space<hbm>>) dst(%arg8 : memref<128xi32, #tpu.memory_space<vmem>>)
      %dma_start3A_59 = arith.constant 0 : i32
      %dma_start3A_60 = arith.constant 0 : i32
      %dma_start3A_61 = tpu.memref_slice %arg2[%dma_start3A_59, %dma_start3A_60] : memref<10240x128xf32, #tpu.memory_space<hbm>> -> memref<10240x128xf32, #tpu.memory_space<hbm>>
      tpu.enqueue_indirect_dma source(%dma_start3A_61 : memref<10240x128xf32, #tpu.memory_space<hbm>>) target(%arg12 : memref<128x128xf32, #tpu.memory_space<vmem>>) offsets(%arg8 : memref<128xi32, #tpu.memory_space<vmem>>) semaphore(%arg17 : memref<!tpu.dma_semaphore, #tpu.memory_space<semaphore_mem>>)
      %mul3A_62 = arith.constant 79 : i32
      %mul3A_63 = arith.muli %add3A, %mul3A_62 : i32
      %add3A_64 = arith.addi %mul3A_63, %add3A_50 : i32
      %mul3A_65 = arith.constant 128 : i32
      %mul3A_66 = arith.muli %add3A_64, %mul3A_65 : i32
      %multiple_of3A_67 = tpu.assume_multiple %mul3A_66, 128 : i32
      "tpu.region"() ({
        %run_scoped3A = tpu.sem_alloc : memref<!tpu.dma_semaphore, #tpu.memory_space<semaphore_mem>>
        %dma_start3A_112 = tpu.memref_slice %arg3[%multiple_of3A_67] : memref<323584xi32, #tpu.memory_space<hbm>> -> memref<128xi32, #tpu.memory_space<hbm>>
        %dma_start3A_113 = tpu.memref_slice %arg3[%multiple_of3A_67] : memref<323584xi32, #tpu.memory_space<hbm>> -> memref<128xi32, #tpu.memory_space<hbm>>
        tpu.enqueue_dma source(%dma_start3A_113 : memref<128xi32, #tpu.memory_space<hbm>>) target(%arg10 : memref<128xi32, #tpu.memory_space<vmem>>) target_semaphore(%run_scoped3A : memref<!tpu.dma_semaphore, #tpu.memory_space<semaphore_mem>>)
        %dma_wait3A_114 = tpu.memref_slice %arg3[%multiple_of3A_67] : memref<323584xi32, #tpu.memory_space<hbm>> -> memref<128xi32, #tpu.memory_space<hbm>>
        %dma_wait3A_115 = tpu.memref_slice %arg3[%multiple_of3A_67] : memref<323584xi32, #tpu.memory_space<hbm>> -> memref<128xi32, #tpu.memory_space<hbm>>
        tpu.wait_dma2 semaphore(%run_scoped3A : memref<!tpu.dma_semaphore, #tpu.memory_space<semaphore_mem>>) src(%dma_wait3A_115 : memref<128xi32, #tpu.memory_space<hbm>>) dst(%arg10 : memref<128xi32, #tpu.memory_space<vmem>>)
        tpu.yield
      }) : () -> ()
      %dma_wait3A_68 = arith.constant 0 : i32
      %dma_wait3A_69 = arith.constant 0 : i32
      %dma_wait3A_70 = tpu.memref_slice %arg2[%dma_wait3A_68, %dma_wait3A_69] : memref<10240x128xf32, #tpu.memory_space<hbm>> -> memref<10240x128xf32, #tpu.memory_space<hbm>>
      tpu.wait_indirect_dma semaphore(%arg16 : memref<!tpu.dma_semaphore, #tpu.memory_space<semaphore_mem>>) src(%dma_wait3A_70 : memref<10240x128xf32, #tpu.memory_space<hbm>>) dst(%arg11 : memref<128x128xf32, #tpu.memory_space<vmem>>)
      %mul3A_71 = arith.constant 2 : i32
      %mul3A_72 = arith.muli %mul3A_71, %scan3A_46 : i32
      %add3A_73 = arith.constant 2 : i32
      %add3A_74 = arith.addi %mul3A_72, %add3A_73 : i32
      %lt3A = arith.constant 79 : i32
      %lt3A_75 = arith.cmpi slt, %add3A_74, %lt3A : i32
      %convert_element_type3A = arith.extui %lt3A_75 : i1 to i32
      %cond3A = arith.constant 0 : i32
      %cond3A_76 = arith.cmpi ne, %convert_element_type3A, %cond3A : i32
      scf.if %cond3A_76 {
        %add3A_112 = arith.constant 2 : i32
        %add3A_113 = arith.addi %mul3A_72, %add3A_112 : i32
        %mul3A_114 = arith.constant 79 : i32
        %mul3A_115 = arith.muli %add3A, %mul3A_114 : i32
        %add3A_116 = arith.addi %mul3A_115, %add3A_113 : i32
        %mul3A_117 = arith.constant 128 : i32
        %mul3A_118 = arith.muli %add3A_116, %mul3A_117 : i32
        %multiple_of3A_119 = tpu.assume_multiple %mul3A_118, 128 : i32
        %dma_start3A_120 = tpu.memref_slice %arg4[%multiple_of3A_119] : memref<323584xi32, #tpu.memory_space<hbm>> -> memref<128xi32, #tpu.memory_space<hbm>>
        %dma_start3A_121 = tpu.memref_slice %arg4[%multiple_of3A_119] : memref<323584xi32, #tpu.memory_space<hbm>> -> memref<128xi32, #tpu.memory_space<hbm>>
        tpu.enqueue_dma source(%dma_start3A_121 : memref<128xi32, #tpu.memory_space<hbm>>) target(%arg7 : memref<128xi32, #tpu.memory_space<vmem>>) target_semaphore(%arg14 : memref<!tpu.dma_semaphore, #tpu.memory_space<semaphore_mem>>)
      } else {
      }
      "tpu.region"() ({
        %run_scoped3A = tpu.sem_alloc : memref<!tpu.dma_semaphore, #tpu.memory_space<semaphore_mem>>
        %dma_start3A_112 = arith.constant 0 : i32
        %dma_start3A_113 = arith.constant 0 : i32
        %dma_start3A_114 = tpu.memref_slice %arg13[%dma_start3A_112, %dma_start3A_113] : memref<10240x128xf32, #tpu.memory_space<vmem_shared>> -> memref<10240x128xf32, #tpu.memory_space<vmem_shared>>
        tpu.enqueue_indirect_dma source(%arg11 : memref<128x128xf32, #tpu.memory_space<vmem>>) target(%dma_start3A_114 : memref<10240x128xf32, #tpu.memory_space<vmem_shared>>) offsets(%arg9 : memref<128xi32, #tpu.memory_space<vmem>>) semaphore(%run_scoped3A : memref<!tpu.dma_semaphore, #tpu.memory_space<semaphore_mem>>) {add = true}
        %dma_wait3A_115 = arith.constant 0 : i32
        %dma_wait3A_116 = arith.constant 0 : i32
        %dma_wait3A_117 = tpu.memref_slice %arg13[%dma_wait3A_115, %dma_wait3A_116] : memref<10240x128xf32, #tpu.memory_space<vmem_shared>> -> memref<10240x128xf32, #tpu.memory_space<vmem_shared>>
        tpu.wait_indirect_dma semaphore(%run_scoped3A : memref<!tpu.dma_semaphore, #tpu.memory_space<semaphore_mem>>) src(%arg11 : memref<128x128xf32, #tpu.memory_space<vmem>>) dst(%dma_wait3A_117 : memref<10240x128xf32, #tpu.memory_space<vmem_shared>>)
        tpu.yield
      }) : () -> ()
      %mul3A_77 = arith.constant 2 : i32
      %mul3A_78 = arith.muli %mul3A_77, %scan3A_46 : i32
      %add3A_79 = arith.constant 2 : i32
      %add3A_80 = arith.addi %mul3A_78, %add3A_79 : i32
      %mul3A_81 = arith.constant 79 : i32
      %mul3A_82 = arith.muli %add3A, %mul3A_81 : i32
      %add3A_83 = arith.addi %mul3A_82, %add3A_80 : i32
      %mul3A_84 = arith.constant 128 : i32
      %mul3A_85 = arith.muli %add3A_83, %mul3A_84 : i32
      %multiple_of3A_86 = tpu.assume_multiple %mul3A_85, 128 : i32
      %dma_wait3A_87 = tpu.memref_slice %arg4[%multiple_of3A_86] : memref<323584xi32, #tpu.memory_space<hbm>> -> memref<128xi32, #tpu.memory_space<hbm>>
      %dma_wait3A_88 = tpu.memref_slice %arg4[%multiple_of3A_86] : memref<323584xi32, #tpu.memory_space<hbm>> -> memref<128xi32, #tpu.memory_space<hbm>>
      tpu.wait_dma2 semaphore(%arg14 : memref<!tpu.dma_semaphore, #tpu.memory_space<semaphore_mem>>) src(%dma_wait3A_88 : memref<128xi32, #tpu.memory_space<hbm>>) dst(%arg7 : memref<128xi32, #tpu.memory_space<vmem>>)
      %dma_start3A_89 = arith.constant 0 : i32
      %dma_start3A_90 = arith.constant 0 : i32
      %dma_start3A_91 = tpu.memref_slice %arg2[%dma_start3A_89, %dma_start3A_90] : memref<10240x128xf32, #tpu.memory_space<hbm>> -> memref<10240x128xf32, #tpu.memory_space<hbm>>
      tpu.enqueue_indirect_dma source(%dma_start3A_91 : memref<10240x128xf32, #tpu.memory_space<hbm>>) target(%arg11 : memref<128x128xf32, #tpu.memory_space<vmem>>) offsets(%arg7 : memref<128xi32, #tpu.memory_space<vmem>>) semaphore(%arg16 : memref<!tpu.dma_semaphore, #tpu.memory_space<semaphore_mem>>)
      %mul3A_92 = arith.constant 79 : i32
      %mul3A_93 = arith.muli %add3A, %mul3A_92 : i32
      %add3A_94 = arith.addi %mul3A_93, %add3A_80 : i32
      %mul3A_95 = arith.constant 128 : i32
      %mul3A_96 = arith.muli %add3A_94, %mul3A_95 : i32
      %multiple_of3A_97 = tpu.assume_multiple %mul3A_96, 128 : i32
      "tpu.region"() ({
        %run_scoped3A = tpu.sem_alloc : memref<!tpu.dma_semaphore, #tpu.memory_space<semaphore_mem>>
        %dma_start3A_112 = tpu.memref_slice %arg3[%multiple_of3A_97] : memref<323584xi32, #tpu.memory_space<hbm>> -> memref<128xi32, #tpu.memory_space<hbm>>
        %dma_start3A_113 = tpu.memref_slice %arg3[%multiple_of3A_97] : memref<323584xi32, #tpu.memory_space<hbm>> -> memref<128xi32, #tpu.memory_space<hbm>>
        tpu.enqueue_dma source(%dma_start3A_113 : memref<128xi32, #tpu.memory_space<hbm>>) target(%arg9 : memref<128xi32, #tpu.memory_space<vmem>>) target_semaphore(%run_scoped3A : memref<!tpu.dma_semaphore, #tpu.memory_space<semaphore_mem>>)
        %dma_wait3A_114 = tpu.memref_slice %arg3[%multiple_of3A_97] : memref<323584xi32, #tpu.memory_space<hbm>> -> memref<128xi32, #tpu.memory_space<hbm>>
        %dma_wait3A_115 = tpu.memref_slice %arg3[%multiple_of3A_97] : memref<323584xi32, #tpu.memory_space<hbm>> -> memref<128xi32, #tpu.memory_space<hbm>>
        tpu.wait_dma2 semaphore(%run_scoped3A : memref<!tpu.dma_semaphore, #tpu.memory_space<semaphore_mem>>) src(%dma_wait3A_115 : memref<128xi32, #tpu.memory_space<hbm>>) dst(%arg9 : memref<128xi32, #tpu.memory_space<vmem>>)
        tpu.yield
      }) : () -> ()
      %dma_wait3A_98 = arith.constant 0 : i32
      %dma_wait3A_99 = arith.constant 0 : i32
      %dma_wait3A_100 = tpu.memref_slice %arg2[%dma_wait3A_98, %dma_wait3A_99] : memref<10240x128xf32, #tpu.memory_space<hbm>> -> memref<10240x128xf32, #tpu.memory_space<hbm>>
      tpu.wait_indirect_dma semaphore(%arg17 : memref<!tpu.dma_semaphore, #tpu.memory_space<semaphore_mem>>) src(%dma_wait3A_100 : memref<10240x128xf32, #tpu.memory_space<hbm>>) dst(%arg12 : memref<128x128xf32, #tpu.memory_space<vmem>>)
      %mul3A_101 = arith.constant 2 : i32
      %mul3A_102 = arith.muli %mul3A_101, %scan3A_46 : i32
      %add3A_103 = arith.constant 1 : i32
      %add3A_104 = arith.addi %mul3A_102, %add3A_103 : i32
      %add3A_105 = arith.constant 2 : i32
      %add3A_106 = arith.addi %add3A_104, %add3A_105 : i32
      %lt3A_107 = arith.constant 79 : i32
      %lt3A_108 = arith.cmpi slt, %add3A_106, %lt3A_107 : i32
      %convert_element_type3A_109 = arith.extui %lt3A_108 : i1 to i32
      %cond3A_110 = arith.constant 0 : i32
      %cond3A_111 = arith.cmpi ne, %convert_element_type3A_109, %cond3A_110 : i32
      scf.if %cond3A_111 {
        %add3A_112 = arith.constant 2 : i32
        %add3A_113 = arith.addi %add3A_104, %add3A_112 : i32
        %mul3A_114 = arith.constant 79 : i32
        %mul3A_115 = arith.muli %add3A, %mul3A_114 : i32
        %add3A_116 = arith.addi %mul3A_115, %add3A_113 : i32
        %mul3A_117 = arith.constant 128 : i32
        %mul3A_118 = arith.muli %add3A_116, %mul3A_117 : i32
        %multiple_of3A_119 = tpu.assume_multiple %mul3A_118, 128 : i32
        %dma_start3A_120 = tpu.memref_slice %arg4[%multiple_of3A_119] : memref<323584xi32, #tpu.memory_space<hbm>> -> memref<128xi32, #tpu.memory_space<hbm>>
        %dma_start3A_121 = tpu.memref_slice %arg4[%multiple_of3A_119] : memref<323584xi32, #tpu.memory_space<hbm>> -> memref<128xi32, #tpu.memory_space<hbm>>
        tpu.enqueue_dma source(%dma_start3A_121 : memref<128xi32, #tpu.memory_space<hbm>>) target(%arg8 : memref<128xi32, #tpu.memory_space<vmem>>) target_semaphore(%arg15 : memref<!tpu.dma_semaphore, #tpu.memory_space<semaphore_mem>>)
      } else {
      }
      "tpu.region"() ({
        %run_scoped3A = tpu.sem_alloc : memref<!tpu.dma_semaphore, #tpu.memory_space<semaphore_mem>>
        %dma_start3A_112 = arith.constant 0 : i32
        %dma_start3A_113 = arith.constant 0 : i32
        %dma_start3A_114 = tpu.memref_slice %arg13[%dma_start3A_112, %dma_start3A_113] : memref<10240x128xf32, #tpu.memory_space<vmem_shared>> -> memref<10240x128xf32, #tpu.memory_space<vmem_shared>>
        tpu.enqueue_indirect_dma source(%arg12 : memref<128x128xf32, #tpu.memory_space<vmem>>) target(%dma_start3A_114 : memref<10240x128xf32, #tpu.memory_space<vmem_shared>>) offsets(%arg10 : memref<128xi32, #tpu.memory_space<vmem>>) semaphore(%run_scoped3A : memref<!tpu.dma_semaphore, #tpu.memory_space<semaphore_mem>>) {add = true}
        %dma_wait3A_115 = arith.constant 0 : i32
        %dma_wait3A_116 = arith.constant 0 : i32
        %dma_wait3A_117 = tpu.memref_slice %arg13[%dma_wait3A_115, %dma_wait3A_116] : memref<10240x128xf32, #tpu.memory_space<vmem_shared>> -> memref<10240x128xf32, #tpu.memory_space<vmem_shared>>
        tpu.wait_indirect_dma semaphore(%run_scoped3A : memref<!tpu.dma_semaphore, #tpu.memory_space<semaphore_mem>>) src(%arg12 : memref<128x128xf32, #tpu.memory_space<vmem>>) dst(%dma_wait3A_117 : memref<10240x128xf32, #tpu.memory_space<vmem_shared>>)
        tpu.yield
      }) : () -> ()
    }
    %scan3A_41 = arith.constant 39 : i32
    %dma_wait3A_42 = arith.constant 0 : i32
    %dma_wait3A_43 = arith.constant 0 : i32
    %dma_wait3A_44 = tpu.memref_slice %arg2[%dma_wait3A_42, %dma_wait3A_43] : memref<10240x128xf32, #tpu.memory_space<hbm>> -> memref<10240x128xf32, #tpu.memory_space<hbm>>
    tpu.wait_indirect_dma semaphore(%arg16 : memref<!tpu.dma_semaphore, #tpu.memory_space<semaphore_mem>>) src(%dma_wait3A_44 : memref<10240x128xf32, #tpu.memory_space<hbm>>) dst(%arg11 : memref<128x128xf32, #tpu.memory_space<vmem>>)
    "tpu.region"() ({
      %run_scoped3A = tpu.sem_alloc : memref<!tpu.dma_semaphore, #tpu.memory_space<semaphore_mem>>
      %dma_start3A_46 = arith.constant 0 : i32
      %dma_start3A_47 = arith.constant 0 : i32
      %dma_start3A_48 = tpu.memref_slice %arg13[%dma_start3A_46, %dma_start3A_47] : memref<10240x128xf32, #tpu.memory_space<vmem_shared>> -> memref<10240x128xf32, #tpu.memory_space<vmem_shared>>
      tpu.enqueue_indirect_dma source(%arg11 : memref<128x128xf32, #tpu.memory_space<vmem>>) target(%dma_start3A_48 : memref<10240x128xf32, #tpu.memory_space<vmem_shared>>) offsets(%arg9 : memref<128xi32, #tpu.memory_space<vmem>>) semaphore(%run_scoped3A : memref<!tpu.dma_semaphore, #tpu.memory_space<semaphore_mem>>) {add = true}
      %dma_wait3A_49 = arith.constant 0 : i32
      %dma_wait3A_50 = arith.constant 0 : i32
      %dma_wait3A_51 = tpu.memref_slice %arg13[%dma_wait3A_49, %dma_wait3A_50] : memref<10240x128xf32, #tpu.memory_space<vmem_shared>> -> memref<10240x128xf32, #tpu.memory_space<vmem_shared>>
      tpu.wait_indirect_dma semaphore(%run_scoped3A : memref<!tpu.dma_semaphore, #tpu.memory_space<semaphore_mem>>) src(%arg11 : memref<128x128xf32, #tpu.memory_space<vmem>>) dst(%dma_wait3A_51 : memref<10240x128xf32, #tpu.memory_space<vmem_shared>>)
      tpu.yield
    }) : () -> ()
    %barrier3A_45 = arith.constant 0 : index
    tpu.barrier barrier_id(%barrier3A_45)
    "tpu.region"() ({
      %run_scoped3A = tpu.sem_alloc : memref<!tpu.dma_semaphore, #tpu.memory_space<semaphore_mem>>
      %dma_start3A_46 = arith.constant 0 : i32
      %dma_start3A_47 = tpu.memref_slice %arg6[%arg0, %mul3A_2, %dma_start3A_46] : memref<2x10240x128xf32, #tpu.memory_space<hbm>> -> memref<1x640x128xf32, #tpu.memory_space<hbm>>
      %dma_start3A_48 = tpu.memref_squeeze %dma_start3A_47 : memref<1x640x128xf32, #tpu.memory_space<hbm>> -> memref<640x128xf32, #tpu.memory_space<hbm>>
      %dma_start3A_49 = arith.constant 0 : i32
      %dma_start3A_50 = tpu.memref_slice %arg13[%mul3A_2, %dma_start3A_49] : memref<10240x128xf32, #tpu.memory_space<vmem_shared>> -> memref<640x128xf32, #tpu.memory_space<vmem_shared>>
      tpu.enqueue_dma source(%dma_start3A_50 : memref<640x128xf32, #tpu.memory_space<vmem_shared>>) target(%dma_start3A_48 : memref<640x128xf32, #tpu.memory_space<hbm>>) target_semaphore(%run_scoped3A : memref<!tpu.dma_semaphore, #tpu.memory_space<semaphore_mem>>)
      %dma_wait3A_51 = arith.constant 0 : i32
      %dma_wait3A_52 = tpu.memref_slice %arg6[%arg0, %mul3A_2, %dma_wait3A_51] : memref<2x10240x128xf32, #tpu.memory_space<hbm>> -> memref<1x640x128xf32, #tpu.memory_space<hbm>>
      %dma_wait3A_53 = tpu.memref_squeeze %dma_wait3A_52 : memref<1x640x128xf32, #tpu.memory_space<hbm>> -> memref<640x128xf32, #tpu.memory_space<hbm>>
      %dma_wait3A_54 = arith.constant 0 : i32
      %dma_wait3A_55 = tpu.memref_slice %arg13[%mul3A_2, %dma_wait3A_54] : memref<10240x128xf32, #tpu.memory_space<vmem_shared>> -> memref<640x128xf32, #tpu.memory_space<vmem_shared>>
      tpu.wait_dma2 semaphore(%run_scoped3A : memref<!tpu.dma_semaphore, #tpu.memory_space<semaphore_mem>>) src(%dma_wait3A_55 : memref<640x128xf32, #tpu.memory_space<vmem_shared>>) dst(%dma_wait3A_53 : memref<640x128xf32, #tpu.memory_space<hbm>>)
      tpu.yield
    }) : () -> ()
    return
  }
}

module attributes {stable_mosaic.version = 14 : i64} {
  func.func @_tc_scale_body(%arg0: i32, %arg1: memref<1024x128xf32, #tpu.memory_space<vmem>>, %arg2: memref<128x128xf32, #tpu.memory_space<vmem>>, %arg3: memref<1024x1xf32, #tpu.memory_space<vmem>>, %arg4: memref<1024x128xf32, #tpu.memory_space<vmem>>) attributes {dimension_semantics = [#tpu.dimension_semantics<arbitrary>], iteration_bounds = array<i64: 10>, scalar_prefetch = 0 : i64, scratch_operands = 0 : i64, tpu.core_type = #tpu.core_type<tc>, window_params = [{transform_indices = @transform_0, window_bounds = array<i64: 1024, 128>}, {pipeline_mode = #tpu.pipeline_mode<synchronous>, transform_indices = @transform_1, window_bounds = array<i64: 128, 128>}, {transform_indices = @transform_2, window_bounds = array<i64: 1024, 1>}, {transform_indices = @transform_3, window_bounds = array<i64: 1024, 128>}]} {
    %get3A = arith.constant 0 : index
    %get3A_0 = arith.constant 0 : index
    %get3A_1 = vector.load %arg3[%get3A, %get3A_0] : memref<1024x1xf32, #tpu.memory_space<vmem>>, vector<1024x1xf32>
    %max3A = arith.constant 1.000000e+00 : f32
    %max3A_2 = vector.broadcast %max3A : f32 to vector<1024x1xf32>
    %max3A_3 = arith.maximumf %get3A_1, %max3A_2 : vector<1024x1xf32>
    %rsqrt3A = math.rsqrt %max3A_3 : vector<1024x1xf32>
    %get3A_4 = arith.constant 0 : index
    %get3A_5 = arith.constant 0 : index
    %get3A_6 = vector.load %arg1[%get3A_4, %get3A_5] : memref<1024x128xf32, #tpu.memory_space<vmem>>, vector<1024x128xf32>
    %get3A_7 = arith.constant 0 : index
    %get3A_8 = arith.constant 0 : index
    %get3A_9 = vector.load %arg2[%get3A_7, %get3A_8] : memref<128x128xf32, #tpu.memory_space<vmem>>, vector<128x128xf32>
    %dot_general3A = arith.constant dense<0.000000e+00> : vector<1024x128xf32>
    %dot_general3A_10 = tpu.matmul %get3A_6, %get3A_9, %dot_general3A {dimension_numbers = #tpu.dot_dimension_numbers<[1], [0], [0], [1], [0, 0, 1, 1], [], []>, transpose_lhs_hint = false} : vector<1024x128xf32>, vector<128x128xf32>, vector<1024x128xf32> -> vector<1024x128xf32>
    %mul3A = vector.broadcast %rsqrt3A : vector<1024x1xf32> to vector<1024x128xf32>
    %mul3A_11 = arith.mulf %dot_general3A_10, %mul3A : vector<1024x128xf32>
    %swap3A = arith.constant 0 : index
    %swap3A_12 = arith.constant 0 : index
    %swap3A_13 = vector.load %arg4[%swap3A, %swap3A_12] : memref<1024x128xf32, #tpu.memory_space<vmem>>, vector<1024x128xf32>
    tpu.vector_store %arg4[%swap3A, %swap3A_12], %mul3A_11 {strides = array<i32>} : memref<1024x128xf32, #tpu.memory_space<vmem>>, vector<1024x128xf32>,
    return
  }
  func.func @transform_0(%arg0: i32) -> (i32, i32) {
    %c0_i32 = arith.constant 0 : i32
    %c0_i32_0 = arith.constant 0 : i32
    return %arg0, %c0_i32 : i32, i32
  }
  func.func @transform_1(%arg0: i32) -> (i32, i32) {
    %c0_i32 = arith.constant 0 : i32
    %c0_i32_0 = arith.constant 0 : i32
    %c0_i32_1 = arith.constant 0 : i32
    return %c0_i32, %c0_i32_0 : i32, i32
  }
  func.func @transform_2(%arg0: i32) -> (i32, i32) {
    %c0_i32 = arith.constant 0 : i32
    %c0_i32_0 = arith.constant 0 : i32
    return %arg0, %c0_i32 : i32, i32
  }
  func.func @transform_3(%arg0: i32) -> (i32, i32) {
    %c0_i32 = arith.constant 0 : i32
    %c0_i32_0 = arith.constant 0 : i32
    return %arg0, %c0_i32 : i32, i32
  }
}

module attributes {stable_mosaic.version = 14 : i64} {
  func.func @_tc_combine_body(%arg0: i32, %arg1: memref<2x1024x128xf32, #tpu.memory_space<vmem>>, %arg2: memref<1024x1xf32, #tpu.memory_space<vmem>>, %arg3: memref<1024x128xf32, #tpu.memory_space<vmem>>) attributes {dimension_semantics = [#tpu.dimension_semantics<arbitrary>], iteration_bounds = array<i64: 10>, scalar_prefetch = 0 : i64, scratch_operands = 0 : i64, tpu.core_type = #tpu.core_type<tc>, window_params = [{transform_indices = @transform_0, window_bounds = array<i64: 2, 1024, 128>}, {transform_indices = @transform_1, window_bounds = array<i64: 1024, 1>}, {transform_indices = @transform_2, window_bounds = array<i64: 1024, 128>}]} {
    %get3A = arith.constant 0 : index
    %get3A_0 = arith.constant 0 : index
    %get3A_1 = vector.load %arg2[%get3A, %get3A_0] : memref<1024x1xf32, #tpu.memory_space<vmem>>, vector<1024x1xf32>
    %max3A = arith.constant 1.000000e+00 : f32
    %max3A_2 = vector.broadcast %max3A : f32 to vector<1024x1xf32>
    %max3A_3 = arith.maximumf %get3A_1, %max3A_2 : vector<1024x1xf32>
    %rsqrt3A = math.rsqrt %max3A_3 : vector<1024x1xf32>
    %get3A_4 = arith.constant 0 : index
    %get3A_5 = arith.constant 0 : index
    %get3A_6 = arith.constant 0 : index
    %get3A_7 = vector.load %arg1[%get3A_4, %get3A_5, %get3A_6] : memref<2x1024x128xf32, #tpu.memory_space<vmem>>, vector<1x1024x128xf32>
    %get3A_8 = vector.shape_cast %get3A_7 : vector<1x1024x128xf32> to vector<1024x128xf32>
    %get3A_9 = arith.constant 1 : index
    %get3A_10 = arith.constant 0 : index
    %get3A_11 = arith.constant 0 : index
    %get3A_12 = vector.load %arg1[%get3A_9, %get3A_10, %get3A_11] : memref<2x1024x128xf32, #tpu.memory_space<vmem>>, vector<1x1024x128xf32>
    %get3A_13 = vector.shape_cast %get3A_12 : vector<1x1024x128xf32> to vector<1024x128xf32>
    %add3A = arith.addf %get3A_8, %get3A_13 : vector<1024x128xf32>
    %mul3A = vector.broadcast %rsqrt3A : vector<1024x1xf32> to vector<1024x128xf32>
    %mul3A_14 = arith.mulf %add3A, %mul3A : vector<1024x128xf32>
    %swap3A = arith.constant 0 : index
    %swap3A_15 = arith.constant 0 : index
    %swap3A_16 = vector.load %arg3[%swap3A, %swap3A_15] : memref<1024x128xf32, #tpu.memory_space<vmem>>, vector<1024x128xf32>
    tpu.vector_store %arg3[%swap3A, %swap3A_15], %mul3A_14 {strides = array<i32>} : memref<1024x128xf32, #tpu.memory_space<vmem>>, vector<1024x128xf32>,
    return
  }
  func.func @transform_0(%arg0: i32) -> (i32, i32, i32) {
    %c0_i32 = arith.constant 0 : i32
    %c0_i32_0 = arith.constant 0 : i32
    %c0_i32_1 = arith.constant 0 : i32
    return %c0_i32, %arg0, %c0_i32_0 : i32, i32, i32
  }
  func.func @transform_1(%arg0: i32) -> (i32, i32) {
    %c0_i32 = arith.constant 0 : i32
    %c0_i32_0 = arith.constant 0 : i32
    return %arg0, %c0_i32 : i32, i32
  }
  func.func @transform_2(%arg0: i32) -> (i32, i32) {
    %c0_i32 = arith.constant 0 : i32
    %c0_i32_0 = arith.constant 0 : i32
    return %arg0, %c0_i32 : i32, i32
  }
}

</mosaic_0001>

<sc_bundles>
// kernel: kernel.6.cloned.1.call-start
scs
__scs_entry_jumppad:
0x0: {  	(pc) =	sbr.rel $0x88, $3  }
0x1: {  	(tag) =	ssettag $0x0;
	lr =	simm.s32 $0x1  }
0x2: {  	[smem:$0x3F9E] =	sst lr;
	_ =	strace $0xD0000000  }
0x3: {  	_ = 	snop  }
0x4: {  	_ = 	snop  }
0x5: {  	_ = 	snop  }
0x6: {  	_ = 	snop  }
0x7: {  	_ = 	snop  }
__scs_overlays_trampoline_lowered:
0x8: {  	[smem:$0x3FAD] =	sst s0  }
0x9: {  	[smem:$0x3FAE] =	sst s1  }
0xa: {  	[smem:$0x3FAF] =	sst s2  }
0xb: {  	[smem:$0x3FB0] =	sst s3  }
0xc: {  	[smem:$0x3FB1] =	sst s4  }
0xd: {  	[smem:$0x3FB2] =	sst s5  }
0xe: {  	[smem:$0x3FB3] =	sst s6  }
0xf: {  	[smem:$0x3FB4] =	sst s7  }
0x10: {  	[smem:$0x3FB5] =	sst s8  }
0x11: {  	[smem:$0x3FB6] =	sst s9;
	s0 =	simm.s32 @!p0 $0x0  }
0x12: {  	s1 =	sld [smem:$0x3F9C];
	s0 =	simm.s32 @p0 $0x1  }
0x13: {  	[smem:$0x3FB7] =	sst s0;
	s0 =	simm.s32 @!p1 $0x0  }
0x14: {  	s2 =	sld [smem:$0x3F9B];
	s0 =	simm.s32 @p1 $0x1  }
0x15: {  	[smem:$0x3FB8] =	sst s0;
	s0 =	simm.s32 @!p2 $0x0  }
0x16: {  	s3 =	sld [smem:$0x3FDB];
	s0 =	simm.s32 @p2 $0x1  }
0x17: {  	s4 =	simm.s32 $0x1BF5;
	[smem:$0x3FBA] =	sst s0  }
0x18: {  	s0 =	sld [smem:$0x3F9D];
	_ =	swait.ge [sflag:s4], $0x0  }
0x19: {  	s7 =	sld [smem:$0x3F9E]  }
0x1a: {  	s8 =	sadd.s32 $0xFFFFE003, lr  }
0x1b: {  	s9 =	sadd.s32 $0xFFFFFEF7, lr;
	s5 =	simm.s32 $0xFFFFFFFF;
	p2 =	slt.u32 s8, $0xFFFFF086  }
0x1c: {  	p1 =	slt.u32 s9, $0xF7A;
	s5 =	simm.s32 @!p2 $0x0  }
0x1d: {  	s5 =	simm.s32 @p1 $0x1;
	p0 =	seq.s32 s7, s2  }
0x1e: {  	s7 =	smul.u32 @!p0 $0xF7A, s2;
	p2 =	seq.s32 @!p0 s5, $0x0  }
0x1f: {  	s9 =	smul.u32 $0xF7A, s1;
	s8 =	simm.s32 @!p0 $0x1BF5;
	p2 =	por !p2, p0  }
0x20: {  	[sflag:s8] =	ssyncset.s32 @!p0 $0xFFFFF086;
	s6 =	sadd.s32 @!p0 s3, s7;
	s7 =	simm.s32 @!p0 $0x108  }
0x21: {  	s3 =	sadd.s32 s3, s9;
	s6 =	sadd.s32 @!p0 $0x88, s6;
	s7 =	simm.s32 @p2 $0x1082  }
0x22: {  	[simem:s7], [sflag:s8] =	dma.local @!p0 [hbm:s6], $0xF7A  }
0x23: {  	s9 =	sor.u32 $0xD0000000, s2;
	s6 =	simm.s32 $0x108;
	_ =	swait.ge @!p0 [sflag:s8], $0x0  }
0x24: {  	s3 =	sadd.s32 $0x88, s3;
	s6 =	simm.s32 @!p1 $0x1082;
	[sflag:s4] =	ssyncset.s32 $0xFFFFF086  }
0x25: {  	[simem:s6], [sflag:s4] =	dma.local [hbm:s3], $0xF7A  }
0x26: {  	[smem:$0x3F9E] =	sst s1;
	(tag) =	ssettag s2;
	_ =	strace s9  }
0x27: {  	s1 =	sld [smem:$0x3FAE]  }
0x28: {  	s2 =	sld [smem:$0x3FAF]  }
0x29: {  	s4 =	sld [smem:$0x3FB1]  }
0x2a: {  	p0 =	seq.s32 s5, $0x0;
	s5 =	sld [smem:$0x3FB2]  }
0x2b: {  	s6 =	sld [smem:$0x3FB3]  }
0x2c: {  	s7 =	sld [smem:$0x3FB4]  }
0x2d: {  	s3 =	simm.s32 $0x108;
	s8 =	sld [smem:$0x3FB5]  }
0x2e: {  	s3 =	simm.s32 @!p0 $0x1082;
	s9 =	sld [smem:$0x3FB6]  }
0x2f: {  	lr =	sadd.s32 s0, s3;
	s0 =	sld [smem:$0x3FAD]  }
0x30: {  	s3 =	sld [smem:$0x3FB0]  }
0x31: {  	[smem:$0x3FB9] =	sst s10  }
0x32: {  	s10 =	sld [smem:$0x3FB7];
	_ =	sdelay $0x3  }
0x33: {  	p0 =	seq.s32 s10, $0x1;
	s10 =	sld [smem:$0x3FB9];
	_ =	sdelay $0x3  }
0x34: {  	[smem:$0x3FB9] =	sst s10  }
0x35: {  	s10 =	sld [smem:$0x3FB8];
	_ =	sdelay $0x3  }
0x36: {  	p1 =	seq.s32 s10, $0x1;
	s10 =	sld [smem:$0x3FB9];
	_ =	sdelay $0x3  }
0x37: {  	[smem:$0x3FB9] =	sst s10  }
0x38: {  	s10 =	sld [smem:$0x3FBA]  }
0x39: {  	_ = 	snop;
	(pc) =	sbr.ind lr, $3  }
0x3a: {  	_ = 	snop  }
0x3b: {  	_ = 	snop  }
0x3c: {  	p2 =	seq.s32 s10, $0x1;
	s10 =	sld [smem:$0x3FB9]  }
0x3d: {  	_ =	shalt  }
0x3e: {  	_ =	shalt  }
0x3f: {  	_ =	shalt  }
0x40: {  	_ =	shalt  }
0x41: {  	_ =	shalt  }
0x42: {  	_ =	shalt  }
0x43: {  	_ =	shalt  }
0x44: {  	_ =	shalt  }
0x45: {  	_ =	shalt  }
0x46: {  	_ =	shalt  }
0x47: {  	_ =	shalt  }
0x48: {  	_ =	shalt  }
0x49: {  	_ =	shalt  }
0x4a: {  	_ =	shalt  }
0x4b: {  	_ =	shalt  }
0x4c: {  	_ =	shalt  }
0x4d: {  	_ =	shalt  }
0x4e: {  	_ =	shalt  }
0x4f: {  	_ =	shalt  }
0x50: {  	_ =	shalt  }
0x51: {  	_ =	shalt  }
0x52: {  	_ =	shalt  }
0x53: {  	_ =	shalt  }
0x54: {  	_ =	shalt  }
0x55: {  	_ =	shalt  }
0x56: {  	_ =	shalt  }
0x57: {  	_ =	shalt  }
0x58: {  	_ =	shalt  }
0x59: {  	_ =	shalt  }
0x5a: {  	_ =	shalt  }
0x5b: {  	_ =	shalt  }
0x5c: {  	_ =	shalt  }
0x5d: {  	_ =	shalt  }
0x5e: {  	_ =	shalt  }
0x5f: {  	_ =	shalt  }
0x60: {  	_ =	shalt  }
0x61: {  	_ =	shalt  }
0x62: {  	_ =	shalt  }
0x63: {  	_ =	shalt  }
0x64: {  	_ =	shalt  }
0x65: {  	_ =	shalt  }
0x66: {  	_ =	shalt  }
0x67: {  	_ =	shalt  }
0x68: {  	_ =	shalt  }
0x69: {  	_ =	shalt  }
0x6a: {  	_ =	shalt  }
0x6b: {  	_ =	shalt  }
0x6c: {  	_ =	shalt  }
0x6d: {  	_ =	shalt  }
0x6e: {  	_ =	shalt  }
0x6f: {  	_ =	shalt  }
0x70: {  	_ =	shalt  }
0x71: {  	_ =	shalt  }
0x72: {  	_ =	shalt  }
0x73: {  	_ =	shalt  }
0x74: {  	_ =	shalt  }
0x75: {  	_ =	shalt  }
0x76: {  	_ =	shalt  }
0x77: {  	_ =	shalt  }
0x78: {  	_ =	shalt  }
0x79: {  	_ =	shalt  }
0x7a: {  	_ =	shalt  }
0x7b: {  	_ =	shalt  }
0x7c: {  	_ =	shalt  }
0x7d: {  	_ =	shalt  }
0x7e: {  	_ =	shalt  }
0x7f: {  	_ =	shalt  }
0x80: {  	_ =	shalt  }
0x81: {  	_ =	shalt  }
0x82: {  	_ =	shalt  }
0x83: {  	_ =	shalt  }
0x84: {  	_ =	shalt  }
0x85: {  	_ =	shalt  }
0x86: {  	_ =	shalt  }
0x87: {  	_ =	shalt  }
.Lfunc_end0:
.L_simem_size_0:
called_computation_lowered:
.L_overlay_start_0:
0x88: {  	s2 =	sld [smem:$0x3FD9]  }
0x89: {  	s3 =	sld [smem:$0x3FFE];
	_ =	sdelay $0x1  }
0x8a: {  	s1 =	srdreg.scid  }
0x8b: {  	s0 =	sand.u32 $0x1, s1  }
0x8c: {  	s17 =	sshll.u32 s0, $0xA;
	s2 =	sadd.s32 s3, s2  }
0x8d: {  	s2 =	sadd.s32 s2, s17  }
0x8e: {  	[smem:$0x3FC5] =	sst s2  }
0x8f: {  	_ = 	snop  }
0x90: {  	s2 =	sld [smem:$0x3FD0];
	(tm) =	ssettm $0x1  }
0x91: {  	s18 =	sld [smem:$0x3FFB];
	_ =	sdelay $0x3  }
0x92: {  	_ =	strace s18  }
0x93: {  	s3 =	sld [smem:$0x3FFC];
	_ =	sdelay $0x3  }
0x94: {  	_ =	strace s3  }
0x95: {  	s3 =	sld [smem:$0x3FFD];
	_ =	sdelay $0x3  }
0x96: {  	_ =	strace s3  }
0x97: {  	_ =	strace $0x8FFFFFFF  }
0x98: {  	s19 =	sld [smem:$0x3FDB];
	_ =	sdelay $0x1  }
0x99: {  	s4 =	simm.s32 $_scs_section_size  }
0x9a: {  	s5 =	simm.s32 $_size__tile_overlayer_lowered;
	s6 =	simm.s32 $_tile_overlayer_lowered  }
0x9b: {  	s22 =	simm.s32 $0x1BFF;
	s21 =	sshll.u32 s6, $0x1;
	s3 =	sadd.s32 s4, s19  }
0x9c: {  	s7 =	simm.s32 $0x0;
	s20 =	sshll.u32 s5, $0x1;
	s5 =	sadd.s32 s21, s3  }
0x9d: {  	[timem:s7], [sflag:s22] =	dma.local [hbm:s5], s20  }
0x9e: {  	_ =	swait.ge [sflag:s22], s20  }
0x9f: {  	s4 =	ssub.s32 $0x0, s20;
	[sflag:s22] =	ssyncset.done $0x0  }
0xa0: {  	[sflag:s22] =	ssyncadd.s32 s4;
	_ =	sdelay $0x1  }
0xa1: {  	s23 =	simm.s32 $0x1B8B  }
0xa2: {  	_ =	swait.ge [sflag:s23], $0x1  }
0xa3: {  	[sflag:s23] =	ssyncset.done $0x0  }
0xa4: {  	s25 =	simm.s32 $0x1B8E;
	s24 =	sld [smem:$0x3FFE];
	[sflag:s23] =	ssyncadd.s32 $0xFFFFFFFF  }
0xa5: {  	s26 =	simm.s32 $execute0_lowered;
	[smem:$0x3FD2] =	sst s25  }
0xa6: {  	s5 =	sshll.u32 s26, $0x1;
	_ =	strace $0x80000046;
	[dreg:$0x1] =	wrdreg $0xFFFFFFFF  }
0xa7: {  	s28 =	simm.s32 $_size_execute0_lowered;
	s3 =	sadd.s32 s3, s5;
	[dreg:$0x0] =	wrdreg $0x0  }
0xa8: {  	s5 =	sshll.u32 s28, $0x1;
	[dreg:$0x2] =	wrdreg s3  }
0xa9: {  	[dreg:$0x3] =	wrdreg s5  }
0xaa: {  	[dreg:$0x4] =	wrdreg $0xC0  }
0xab: {  	_ =	task [dreg:s7], $0x5FFFF  }
0xac: {  	[dreg:$0x1] =	wrdreg $0xFFFFFFFF  }
0xad: {  	[dreg:$0x0] =	wrdreg $0x60  }
0xae: {  	[dreg:$0x2] =	wrdreg s2  }
0xaf: {  	[dreg:$0x3] =	wrdreg s24  }
0xb0: {  	[dreg:$0x4] =	wrdreg $0x1800  }
0xb1: {  	[dreg:$0x5] =	wrdreg $0x9  }
0xb2: {  	_ =	task.clear_ibuf [dreg:s7], $0x6FFFF;
	_ =	strace $0x90000046  }
0xb3: {  	s29 =	simm.s32 $0x9;
	_ =	strace $0x80000048  }
0xb4: {  	_ =	swait.ge [sflag:s29], $0x1  }
0xb5: {  	[sflag:s29] =	ssyncadd.s32 $0xFFFFFFFF  }
0xb6: {  	_ =	strace $0x90000048  }
0xb7: {  	_ =	sfence  }
0xb8: {  	s30 =	sld [smem:$0x0];
	_ =	sdelay $0x2  }
0xb9: {  	s31 =	sshll.u32 s1, $0xD;
	s1 =	sshrl.u32 s1, $0x2  }
0xba: {  	s3 =	sand.u32 $0x4000, s31;
	s1 =	sadd.s32 s1, s30  }
0xbb: {  	s0 =	sor.u32 s3, s0;
	s1 =	sshll.u32 s1, $0x11  }
0xbc: {  	s0 =	sor.u32 s1, s0  }
0xbd: {  	s0 =	sadd.s32 $0x8F2B, s0  }
0xbe: {  	[sflag:s0] =	ssyncadd.remote.s32 $0x1  }
0xbf: {  	_ =	sfence.sel $0xFFFF  }
0xc0: {  	[dreg:$0x0] =	wrdreg $0xFFFFFFFF;
	(pc) =	sbr.abs _section_cstart, $3  }
0xc1: {  	[dreg:$0x1] =	wrdreg $0xFFFFFFFF  }
0xc2: {  	_ =	task.clear_ibuf [dreg:s7], $0x2FFFF;
	_ =	strace $0x9FFFFFFF  }
0xc3: {  	(tm) =	ssettm $0x7FFFFFFF  }
tec
execute0_lowered:
.L_overlay_start_1:
0x0: {  	(tag) =	ssettag $0x1  }
0x1: {  	s7 =	rddreg [dreg:$0x0]  }
0x2: {  	s6 =	rddreg [dreg:$0x1]  }
0x3: {  	s2 =	rddreg [dreg:$0x2]  }
0x4: {  	s0 =	rddreg [dreg:$0x3];
	s4 =	srdreg.scid  }
0x5: {  	s1 =	stileid.u32;
	s3 =	simm.s32 $0x0;
	s15 =	simm.s32 $0x80  }
0x6: {  	s16 =	simm.s32 $0x1;
	s17 =	simm.s32 $0x2;
	s18 =	simm.s32 $0x20  }
0x7: {  	s19 =	simm.s32 $0x10;
	s20 =	simm.s32 $0x0;
	s5 =	smul.u32 $0x500, s1  }
0x8: {  	s8 =	sand.u32 $0x1, s4;
	[smem:$0x7FF] =	sst s3;
	s11 =	smul.u32 $0x4F, s1  }
0x9: {  	s4 =	sadd.s32 $0x1000, s6;
	s12 =	smul.u32 $0xA00, s1;
	s31 =	sshll.u32 s1, $0x6  }
0xa: {  	s9 =	sshll.u32 s8, $0x7;
	_ =	strace $0x80000047;
	s10 =	smul.u32 $0x4F0, s8  }
0xb: {  	s29 =	sshll.u32 s8, $0x4;
	s8 =	ssub.s32 $0x2, s8;
	s9 =	sor.u32 s9, s5  }
0xc: {  	s5 =	sadd.s32 $0xE00, s6;
	s13 =	sshrl.u32 s8, $0x1;
	s30 =	sshrl.u32 s12, $0x2  }
0xd: {  	s12 =	simm.s32 $0x3;
	s9 =	sshrl.u32 s9, $0x3;
	s10 =	sadd.s32 s11, s10  }
0xe: {  	s8 =	ssub.s32 s8, s13;
	s9 =	sadd.s32 s9, s6;
	s6 =	sor.u32 s1, s29  }
0xf: {  	s14 =	sadd.s32 s30, s2;
	s11 =	simm.s32 $0x100;
	s6 =	smul.u32 $0x4F0, s6  }
0x10: {  	s13 =	sor.u32 $0x1C03, s31;
	s10 =	sshll.u32 s10, $0x4;
	s8 =	smax.u32 s8, $0x1  }
0x11: {  	s14 =	sshrl.u32 s14, $0x3;
	s10 =	sadd.s32 s10, s7;
	s6 =	sadd.s32 s7, s6  }
0x12: {  	s7 =	sadd.s32 $0x1200, s9;
	s9 =	sadd.s32 $0x20, s10;
	s10 =	sadd.s32 $0x10, s10  }
.LBB2_1:
0x13: {  	[tilespmem:s11], [sflag:$0x3] =	stream.linear.gather [hbm4b:s5+s3], $0x80, $0x38;
	[tilespmem:$0x400] =	vst v63  }
0x14: {  	_ =	swait.ge [sflag:s12], $0x80  }
0x15: {  	[sflag:s12] =	ssyncset.done $0x0  }
0x16: {  	[sflag:s12] =	ssyncadd.s32 $0xFFFFFF80  }
0x17: {  	[spmem:s14], [sflag:s13] =	dma.local [hbm:s4], $0x50  }
0x18: {  	_ =	swait.ge [sflag:s12], $0x50  }
0x19: {  	[sflag:s12] =	ssyncset.done $0x0  }
0x1a: {  	[sflag:s12] =	ssyncadd.s32 $0xFFFFFFB0  }
0x1b: {  	[bflag:$0x0] =	sbarrier.arrive $0xFFFF  }
0x1c: {  	[tilespmem:s3], [sflag:$0x1] =	stream.linear.gather [hbm4b:s6+s3], $0x80, $0x38;
	[tilespmem:$0x400] =	vst v63  }
0x1d: {  	s21 =	sadd.s32 $0x0, s10  }
0x1e: {  	[tilespmem:s15], [sflag:$0x2] =	stream.linear.gather [hbm4b:s21+s3], $0x80, $0x38;
	[tilespmem:$0x400] =	vst v63  }
0x1f: {  	_ =	swait.ge [sflag:s16], $0x80  }
0x20: {  	[sflag:s16] =	ssyncset.done $0x0  }
0x21: {  	[sflag:s16] =	ssyncadd.s32 $0xFFFFFF80  }
0x22: {  	[spmem:s2] =	stream.indirect.scatter.add.f32 [tilespmem:s11], [sflag:$0x3], $0x1, s3, s15, $0xb8;
	[tilespmem:$0x400] =	vst v63  }
0x23: {  	_ =	swait.ge [sflag:s12], $0x80  }
0x24: {  	[sflag:s12] =	ssyncset.done $0x0  }
0x25: {  	s31 =	sadd.s32 $0x0, s9;
	[sflag:s12] =	ssyncadd.s32 $0xFFFFFF80  }
0x26: {  	[tilespmem:s3], [sflag:$0x1] =	stream.linear.gather [hbm4b:s31+s3], $0x80, $0x38;
	[tilespmem:$0x400] =	vst v63  }
0x27: {  	_ =	swait.ge [sflag:s17], $0x80  }
0x28: {  	[sflag:s17] =	ssyncset.done $0x0  }
0x29: {  	[sflag:s17] =	ssyncadd.s32 $0xFFFFFF80  }
0x2a: {  	[spmem:s2] =	stream.indirect.scatter.add.f32 [tilespmem:s11], [sflag:$0x3], $0x1, s15, s15, $0xb8;
	[tilespmem:$0x400] =	vst v63  }
0x2b: {  	_ =	swait.ge [sflag:s12], $0x80  }
0x2c: {  	s22 =	simm.s32 $0x40;
	s21 =	simm.s32 $0x20;
	[sflag:s12] =	ssyncset.done $0x0  }
.LBB2_2:
0x2d: {  	s23 =	sadd.s32 s21, s10  }
0x2e: {  	[sflag:s12] =	ssyncadd.s32 $0xFFFFFF80;
	s24 =	smov.u32 s22;
	s25 =	sadd.s32 $0x20, s22  }
0x2f: {  	[tilespmem:s15], [sflag:$0x2] =	stream.linear.gather [hbm4b:s23+s3], $0x80, $0x38;
	[tilespmem:$0x400] =	vst v63  }
0x30: {  	p0 =	sne.s32 s22, $0x4C0;
	_ =	swait.ge [sflag:s16], $0x80  }
0x31: {  	[sflag:s16] =	ssyncset.done $0x0  }
0x32: {  	[sflag:s16] =	ssyncadd.s32 $0xFFFFFF80  }
0x33: {  	[spmem:s2] =	stream.indirect.scatter.add.f32 [tilespmem:s11], [sflag:$0x3], $0x1, s3, s15, $0xb8;
	[tilespmem:$0x400] =	vst v63  }
0x34: {  	_ =	swait.ge [sflag:s12], $0x80  }
0x35: {  	[sflag:s12] =	ssyncset.done $0x0  }
0x36: {  	s22 =	sadd.s32 s21, s9;
	s21 =	smov.u32 s24;
	[sflag:s12] =	ssyncadd.s32 $0xFFFFFF80  }
0x37: {  	[tilespmem:s3], [sflag:$0x1] =	stream.linear.gather [hbm4b:s22+s3], $0x80, $0x38;
	[tilespmem:$0x400] =	vst v63  }
0x38: {  	_ =	swait.ge [sflag:s17], $0x80  }
.Ltmp0:
0x39: {  	[sflag:s17] =	ssyncset.done $0x0;
	(pc) =	sbr.rel @p0 .LBB2_2-.Ltmp0, $4  }
0x3a: {  	[sflag:s17] =	ssyncadd.s32 $0xFFFFFF80  }
0x3b: {  	[spmem:s2] =	stream.indirect.scatter.add.f32 [tilespmem:s11], [sflag:$0x3], $0x1, s15, s15, $0xb8;
	[tilespmem:$0x400] =	vst v63  }
0x3c: {  	_ =	swait.ge [sflag:s12], $0x80  }
0x3d: {  	s22 =	smov.u32 s25;
	[sflag:s12] =	ssyncset.done $0x0  }
0x3e: {  	s22 =	sadd.s32 s21, s10;
	[sflag:s12] =	ssyncadd.s32 $0xFFFFFF80  }
0x3f: {  	[tilespmem:s15], [sflag:$0x2] =	stream.linear.gather [hbm4b:s22+s3], $0x80, $0x38;
	[tilespmem:$0x400] =	vst v63  }
0x40: {  	_ =	swait.ge [sflag:s16], $0x80  }
0x41: {  	[sflag:s16] =	ssyncset.done $0x0  }
0x42: {  	[sflag:s16] =	ssyncadd.s32 $0xFFFFFF80  }
0x43: {  	[spmem:s2] =	stream.indirect.scatter.add.f32 [tilespmem:s11], [sflag:$0x3], $0x1, s3, s15, $0xb8;
	[tilespmem:$0x400] =	vst v63  }
0x44: {  	_ =	swait.ge [sflag:s12], $0x80  }
0x45: {  	[sflag:s12] =	ssyncset.done $0x0  }
0x46: {  	s31 =	sadd.s32 s21, s9;
	[sflag:s12] =	ssyncadd.s32 $0xFFFFFF80  }
0x47: {  	[tilespmem:s3], [sflag:$0x1] =	stream.linear.gather [hbm4b:s31+s3], $0x80, $0x38;
	[tilespmem:$0x400] =	vst v63  }
0x48: {  	_ =	swait.ge [sflag:s17], $0x80  }
0x49: {  	[sflag:s17] =	ssyncset.done $0x0  }
0x4a: {  	[sflag:s17] =	ssyncadd.s32 $0xFFFFFF80  }
0x4b: {  	[spmem:s2] =	stream.indirect.scatter.add.f32 [tilespmem:s11], [sflag:$0x3], $0x1, s15, s15, $0xb8;
	[tilespmem:$0x400] =	vst v63  }
0x4c: {  	_ =	swait.ge [sflag:s12], $0x80  }
0x4d: {  	[sflag:s12] =	ssyncset.done $0x0  }
0x4e: {  	[sflag:s12] =	ssyncadd.s32 $0xFFFFFF80  }
0x4f: {  	_ =	swait.ge [sflag:s16], $0x80  }
0x50: {  	[sflag:s16] =	ssyncset.done $0x0  }
0x51: {  	[sflag:s16] =	ssyncadd.s32 $0xFFFFFF80  }
0x52: {  	[spmem:s2] =	stream.indirect.scatter.add.f32 [tilespmem:s11], [sflag:$0x3], $0x1, s3, s15, $0xb8;
	[tilespmem:$0x400] =	vst v63  }
0x53: {  	_ =	swait.ge [sflag:s12], $0x80  }
0x54: {  	s20 =	sadd.s32 $0x1, s20;
	[sflag:s12] =	ssyncset.done $0x0  }
0x55: {  	p0 =	sne.s32 s20, s8;
	[sflag:s12] =	ssyncadd.s32 $0xFFFFFF80  }
.Ltmp1:
0x56: {  	[bflag:$0x0] =	sbarrier.arrive $0xFFFF;
	(pc) =	sbr.rel @p0 .LBB2_1-.Ltmp1, $4  }
0x57: {  	[hbm:s7@s18], [sflag:s13] =	dma.strided [spmem:s14@s19], $0x50, s16, $0x10   }
0x58: {  	_ =	swait.ge [sflag:s12], $0x50  }
0x59: {  	[sflag:s12] =	ssyncset.done $0x0  }
0x5a: {  	[sflag:s12] =	ssyncadd.s32 $0xFFFFFFB0  }
0x5b: {  	_ =	sfence.sel $0x180000  }
0x5c: {  	[bflag:$0x0] =	sbarrier.arrive $0xFFFF  }
0x5d: {  	p0 =	sne.s32 s1, $0x0;
	_ =	strace $0x90000047  }
0x5e: {  	s0 =	sadd.s32 @!p0 $0x100000, s0;
	[bflag:$0x2] =	sbarrier.arrive $0xFFFF  }
0x5f: {  	[sflag:s0] =	ssyncadd.tile.s32 @!p0 $0x1;
	_ =	shalt  }
.Lfunc_end2:
_tile_overlayer_lowered:
.L_overlay_start_2:
0x60: {  	(tag) =	ssettag $0x2  }
0x61: {  	s0 =	rddreg [dreg:$0x0];
	s2 =	stileid.u32  }
0x62: {  	s1 =	rddreg [dreg:$0x1];
	p0 =	sne.s32 s2, $0x0  }
0x63: {  	s3 =	rddreg [dreg:$0x2];
	[bflag:$0x3] =	sbarrier.arrive $0xFFFF;
	s2 =	simm.s32 @!p0 $0x1C03  }
0x64: {  	[timem:s3], [sflag:s2] =	dma.local @!p0 [hbm:s0], s1  }
0x65: {  	s0 =	simm.s32 @!p0 $0x3  }
0x66: {  	_ =	swait.ge @!p0 [sflag:s0], s1  }
0x67: {  	s1 =	ssub.s32 @!p0 $0x0, s1;
	[sflag:s0] =	ssyncset.done @!p0 $0x0  }
0x68: {  	[sflag:s0] =	ssyncadd.s32 @!p0 s1  }
0x69: {  	[bflag:$0x3] =	sbarrier.arrive $0xFFFF  }
0x6a: {  	_ =	shalt  }

// kernel: kernel.9.cloned.1.call-start
scs
__scs_entry_jumppad:
0x0: {  	(pc) =	sbr.rel $0x88, $3  }
0x1: {  	(tag) =	ssettag $0x0;
	lr =	simm.s32 $0x1  }
0x2: {  	[smem:$0x3F9E] =	sst lr;
	_ =	strace $0xD0000000  }
0x3: {  	_ = 	snop  }
0x4: {  	_ = 	snop  }
0x5: {  	_ = 	snop  }
0x6: {  	_ = 	snop  }
0x7: {  	_ = 	snop  }
__scs_overlays_trampoline_lowered:
0x8: {  	[smem:$0x3FAD] =	sst s0  }
0x9: {  	[smem:$0x3FAE] =	sst s1  }
0xa: {  	[smem:$0x3FAF] =	sst s2  }
0xb: {  	[smem:$0x3FB0] =	sst s3  }
0xc: {  	[smem:$0x3FB1] =	sst s4  }
0xd: {  	[smem:$0x3FB2] =	sst s5  }
0xe: {  	[smem:$0x3FB3] =	sst s6  }
0xf: {  	[smem:$0x3FB4] =	sst s7  }
0x10: {  	[smem:$0x3FB5] =	sst s8  }
0x11: {  	[smem:$0x3FB6] =	sst s9;
	s0 =	simm.s32 @!p0 $0x0  }
0x12: {  	s1 =	sld [smem:$0x3F9C];
	s0 =	simm.s32 @p0 $0x1  }
0x13: {  	[smem:$0x3FB7] =	sst s0;
	s0 =	simm.s32 @!p1 $0x0  }
0x14: {  	s2 =	sld [smem:$0x3F9B];
	s0 =	simm.s32 @p1 $0x1  }
0x15: {  	[smem:$0x3FB8] =	sst s0;
	s0 =	simm.s32 @!p2 $0x0  }
0x16: {  	s3 =	sld [smem:$0x3FDB];
	s0 =	simm.s32 @p2 $0x1  }
0x17: {  	s4 =	simm.s32 $0x1BF5;
	[smem:$0x3FBA] =	sst s0  }
0x18: {  	s0 =	sld [smem:$0x3F9D];
	_ =	swait.ge [sflag:s4], $0x0  }
0x19: {  	s7 =	sld [smem:$0x3F9E]  }
0x1a: {  	s8 =	sadd.s32 $0xFFFFE003, lr  }
0x1b: {  	s9 =	sadd.s32 $0xFFFFFEF7, lr;
	s5 =	simm.s32 $0xFFFFFFFF;
	p2 =	slt.u32 s8, $0xFFFFF086  }
0x1c: {  	p1 =	slt.u32 s9, $0xF7A;
	s5 =	simm.s32 @!p2 $0x0  }
0x1d: {  	s5 =	simm.s32 @p1 $0x1;
	p0 =	seq.s32 s7, s2  }
0x1e: {  	s7 =	smul.u32 @!p0 $0xF7A, s2;
	p2 =	seq.s32 @!p0 s5, $0x0  }
0x1f: {  	s9 =	smul.u32 $0xF7A, s1;
	s8 =	simm.s32 @!p0 $0x1BF5;
	p2 =	por !p2, p0  }
0x20: {  	[sflag:s8] =	ssyncset.s32 @!p0 $0xFFFFF086;
	s6 =	sadd.s32 @!p0 s3, s7;
	s7 =	simm.s32 @!p0 $0x108  }
0x21: {  	s3 =	sadd.s32 s3, s9;
	s6 =	sadd.s32 @!p0 $0x88, s6;
	s7 =	simm.s32 @p2 $0x1082  }
0x22: {  	[simem:s7], [sflag:s8] =	dma.local @!p0 [hbm:s6], $0xF7A  }
0x23: {  	s9 =	sor.u32 $0xD0000000, s2;
	s6 =	simm.s32 $0x108;
	_ =	swait.ge @!p0 [sflag:s8], $0x0  }
0x24: {  	s3 =	sadd.s32 $0x88, s3;
	s6 =	simm.s32 @!p1 $0x1082;
	[sflag:s4] =	ssyncset.s32 $0xFFFFF086  }
0x25: {  	[simem:s6], [sflag:s4] =	dma.local [hbm:s3], $0xF7A  }
0x26: {  	[smem:$0x3F9E] =	sst s1;
	(tag) =	ssettag s2;
	_ =	strace s9  }
0x27: {  	s1 =	sld [smem:$0x3FAE]  }
0x28: {  	s2 =	sld [smem:$0x3FAF]  }
0x29: {  	s4 =	sld [smem:$0x3FB1]  }
0x2a: {  	p0 =	seq.s32 s5, $0x0;
	s5 =	sld [smem:$0x3FB2]  }
0x2b: {  	s6 =	sld [smem:$0x3FB3]  }
0x2c: {  	s7 =	sld [smem:$0x3FB4]  }
0x2d: {  	s3 =	simm.s32 $0x108;
	s8 =	sld [smem:$0x3FB5]  }
0x2e: {  	s3 =	simm.s32 @!p0 $0x1082;
	s9 =	sld [smem:$0x3FB6]  }
0x2f: {  	lr =	sadd.s32 s0, s3;
	s0 =	sld [smem:$0x3FAD]  }
0x30: {  	s3 =	sld [smem:$0x3FB0]  }
0x31: {  	[smem:$0x3FB9] =	sst s10  }
0x32: {  	s10 =	sld [smem:$0x3FB7];
	_ =	sdelay $0x3  }
0x33: {  	p0 =	seq.s32 s10, $0x1;
	s10 =	sld [smem:$0x3FB9];
	_ =	sdelay $0x3  }
0x34: {  	[smem:$0x3FB9] =	sst s10  }
0x35: {  	s10 =	sld [smem:$0x3FB8];
	_ =	sdelay $0x3  }
0x36: {  	p1 =	seq.s32 s10, $0x1;
	s10 =	sld [smem:$0x3FB9];
	_ =	sdelay $0x3  }
0x37: {  	[smem:$0x3FB9] =	sst s10  }
0x38: {  	s10 =	sld [smem:$0x3FBA]  }
0x39: {  	_ = 	snop;
	(pc) =	sbr.ind lr, $3  }
0x3a: {  	_ = 	snop  }
0x3b: {  	_ = 	snop  }
0x3c: {  	p2 =	seq.s32 s10, $0x1;
	s10 =	sld [smem:$0x3FB9]  }
0x3d: {  	_ =	shalt  }
0x3e: {  	_ =	shalt  }
0x3f: {  	_ =	shalt  }
0x40: {  	_ =	shalt  }
0x41: {  	_ =	shalt  }
0x42: {  	_ =	shalt  }
0x43: {  	_ =	shalt  }
0x44: {  	_ =	shalt  }
0x45: {  	_ =	shalt  }
0x46: {  	_ =	shalt  }
0x47: {  	_ =	shalt  }
0x48: {  	_ =	shalt  }
0x49: {  	_ =	shalt  }
0x4a: {  	_ =	shalt  }
0x4b: {  	_ =	shalt  }
0x4c: {  	_ =	shalt  }
0x4d: {  	_ =	shalt  }
0x4e: {  	_ =	shalt  }
0x4f: {  	_ =	shalt  }
0x50: {  	_ =	shalt  }
0x51: {  	_ =	shalt  }
0x52: {  	_ =	shalt  }
0x53: {  	_ =	shalt  }
0x54: {  	_ =	shalt  }
0x55: {  	_ =	shalt  }
0x56: {  	_ =	shalt  }
0x57: {  	_ =	shalt  }
0x58: {  	_ =	shalt  }
0x59: {  	_ =	shalt  }
0x5a: {  	_ =	shalt  }
0x5b: {  	_ =	shalt  }
0x5c: {  	_ =	shalt  }
0x5d: {  	_ =	shalt  }
0x5e: {  	_ =	shalt  }
0x5f: {  	_ =	shalt  }
0x60: {  	_ =	shalt  }
0x61: {  	_ =	shalt  }
0x62: {  	_ =	shalt  }
0x63: {  	_ =	shalt  }
0x64: {  	_ =	shalt  }
0x65: {  	_ =	shalt  }
0x66: {  	_ =	shalt  }
0x67: {  	_ =	shalt  }
0x68: {  	_ =	shalt  }
0x69: {  	_ =	shalt  }
0x6a: {  	_ =	shalt  }
0x6b: {  	_ =	shalt  }
0x6c: {  	_ =	shalt  }
0x6d: {  	_ =	shalt  }
0x6e: {  	_ =	shalt  }
0x6f: {  	_ =	shalt  }
0x70: {  	_ =	shalt  }
0x71: {  	_ =	shalt  }
0x72: {  	_ =	shalt  }
0x73: {  	_ =	shalt  }
0x74: {  	_ =	shalt  }
0x75: {  	_ =	shalt  }
0x76: {  	_ =	shalt  }
0x77: {  	_ =	shalt  }
0x78: {  	_ =	shalt  }
0x79: {  	_ =	shalt  }
0x7a: {  	_ =	shalt  }
0x7b: {  	_ =	shalt  }
0x7c: {  	_ =	shalt  }
0x7d: {  	_ =	shalt  }
0x7e: {  	_ =	shalt  }
0x7f: {  	_ =	shalt  }
0x80: {  	_ =	shalt  }
0x81: {  	_ =	shalt  }
0x82: {  	_ =	shalt  }
0x83: {  	_ =	shalt  }
0x84: {  	_ =	shalt  }
0x85: {  	_ =	shalt  }
0x86: {  	_ =	shalt  }
0x87: {  	_ =	shalt  }
.Lfunc_end0:
.L_simem_size_0:
called_computation.1_lowered:
.L_overlay_start_0:
0x88: {  	s2 =	sld [smem:$0x3FD9]  }
0x89: {  	s3 =	sld [smem:$0x3FFE];
	_ =	sdelay $0x1  }
0x8a: {  	s1 =	srdreg.scid  }
0x8b: {  	s0 =	sand.u32 $0x1, s1  }
0x8c: {  	s17 =	sshll.u32 s0, $0xA;
	s2 =	sadd.s32 s3, s2  }
0x8d: {  	s2 =	sadd.s32 s2, s17  }
0x8e: {  	[smem:$0x3FC5] =	sst s2  }
0x8f: {  	_ = 	snop  }
0x90: {  	s2 =	sld [smem:$0x3FD0];
	(tm) =	ssettm $0x1  }
0x91: {  	s18 =	sld [smem:$0x3FFB];
	_ =	sdelay $0x3  }
0x92: {  	_ =	strace s18  }
0x93: {  	s3 =	sld [smem:$0x3FFC];
	_ =	sdelay $0x3  }
0x94: {  	_ =	strace s3  }
0x95: {  	s3 =	sld [smem:$0x3FFD];
	_ =	sdelay $0x3  }
0x96: {  	_ =	strace s3  }
0x97: {  	_ =	strace $0x8FFFFFFF  }
0x98: {  	s19 =	sld [smem:$0x3FDB];
	_ =	sdelay $0x1  }
0x99: {  	s4 =	simm.s32 $_scs_section_size  }
0x9a: {  	s5 =	simm.s32 $_size__tile_overlayer_lowered;
	s6 =	simm.s32 $_tile_overlayer_lowered  }
0x9b: {  	s22 =	simm.s32 $0x1BFF;
	s21 =	sshll.u32 s6, $0x1;
	s3 =	sadd.s32 s4, s19  }
0x9c: {  	s7 =	simm.s32 $0x0;
	s20 =	sshll.u32 s5, $0x1;
	s5 =	sadd.s32 s21, s3  }
0x9d: {  	[timem:s7], [sflag:s22] =	dma.local [hbm:s5], s20  }
0x9e: {  	_ =	swait.ge [sflag:s22], s20  }
0x9f: {  	s4 =	ssub.s32 $0x0, s20;
	[sflag:s22] =	ssyncset.done $0x0  }
0xa0: {  	[sflag:s22] =	ssyncadd.s32 s4;
	_ =	sdelay $0x1  }
0xa1: {  	s23 =	simm.s32 $0x1B8B  }
0xa2: {  	_ =	swait.ge [sflag:s23], $0x1  }
0xa3: {  	[sflag:s23] =	ssyncset.done $0x0  }
0xa4: {  	s25 =	simm.s32 $0x1B8E;
	s24 =	sld [smem:$0x3FFE];
	[sflag:s23] =	ssyncadd.s32 $0xFFFFFFFF  }
0xa5: {  	s26 =	simm.s32 $execute0_lowered;
	[smem:$0x3FD2] =	sst s25  }
0xa6: {  	s5 =	sshll.u32 s26, $0x1;
	_ =	strace $0x80000049;
	[dreg:$0x1] =	wrdreg $0xFFFFFFFF  }
0xa7: {  	s28 =	simm.s32 $_size_execute0_lowered;
	s3 =	sadd.s32 s3, s5;
	[dreg:$0x0] =	wrdreg $0x0  }
0xa8: {  	s5 =	sshll.u32 s28, $0x1;
	[dreg:$0x2] =	wrdreg s3  }
0xa9: {  	[dreg:$0x3] =	wrdreg s5  }
0xaa: {  	[dreg:$0x4] =	wrdreg $0xC0  }
0xab: {  	_ =	task [dreg:s7], $0x5FFFF  }
0xac: {  	[dreg:$0x1] =	wrdreg $0xFFFFFFFF  }
0xad: {  	[dreg:$0x0] =	wrdreg $0x60  }
0xae: {  	[dreg:$0x2] =	wrdreg s24  }
0xaf: {  	[dreg:$0x3] =	wrdreg s2  }
0xb0: {  	[dreg:$0x4] =	wrdreg $0x82000  }
0xb1: {  	[dreg:$0x5] =	wrdreg $0x9  }
0xb2: {  	_ =	task.clear_ibuf [dreg:s7], $0x6FFFF;
	_ =	strace $0x90000049  }
0xb3: {  	s29 =	simm.s32 $0x9;
	_ =	strace $0x8000004B  }
0xb4: {  	_ =	swait.ge [sflag:s29], $0x1  }
0xb5: {  	[sflag:s29] =	ssyncadd.s32 $0xFFFFFFFF  }
0xb6: {  	_ =	strace $0x9000004B  }
0xb7: {  	_ =	sfence  }
0xb8: {  	s30 =	sld [smem:$0x0];
	_ =	sdelay $0x2  }
0xb9: {  	s31 =	sshll.u32 s1, $0xD;
	s1 =	sshrl.u32 s1, $0x2  }
0xba: {  	s3 =	sand.u32 $0x4000, s31;
	s1 =	sadd.s32 s1, s30  }
0xbb: {  	s0 =	sor.u32 s3, s0;
	s1 =	sshll.u32 s1, $0x11  }
0xbc: {  	s0 =	sor.u32 s1, s0  }
0xbd: {  	s0 =	sadd.s32 $0x8F2B, s0  }
0xbe: {  	[sflag:s0] =	ssyncadd.remote.s32 $0x1  }
0xbf: {  	_ =	sfence.sel $0xFFFF  }
0xc0: {  	[dreg:$0x0] =	wrdreg $0xFFFFFFFF;
	(pc) =	sbr.abs _section_cstart, $3  }
0xc1: {  	[dreg:$0x1] =	wrdreg $0xFFFFFFFF  }
0xc2: {  	_ =	task.clear_ibuf [dreg:s7], $0x2FFFF;
	_ =	strace $0x9FFFFFFF  }
0xc3: {  	(tm) =	ssettm $0x7FFFFFFF  }
tec
execute0_lowered:
.L_overlay_start_1:
0x0: {  	(tag) =	ssettag $0x1  }
0x1: {  	s0 =	rddreg [dreg:$0x0]  }
0x2: {  	s1 =	rddreg [dreg:$0x1];
	s3 =	srdreg.scid  }
0x3: {  	s2 =	rddreg [dreg:$0x2];
	s10 =	stileid.u32;
	s28 =	simm.s32 $0x180  }
0x4: {  	s29 =	simm.s32 $0x3;
	s30 =	simm.s32 $0x4;
	s31 =	simm.s32 $0x0  }
0x5: {  	s5 =	sand.u32 $0x1, s3;
	s3 =	simm.s32 $0x0;
	s7 =	smul.u32 $0x14000, s10  }
0x6: {  	s4 =	sadd.s32 $0xBA00, s0;
	s16 =	sadd.s32 $0x1C00, s0;
	s8 =	smul.u32 $0x50000, s10  }
0x7: {  	s18 =	sadd.s32 $0x33A00, s0;
	s23 =	sshll.u32 s10, $0x6;
	s14 =	smul.u32 $0x4F, s10  }
0x8: {  	s6 =	smul.u32 $0x140000, s5;
	[smem:$0x7FF] =	sst s3;
	s19 =	ssub.s32 $0x2, s5  }
0x9: {  	s9 =	sshll.u32 s5, $0x4;
	s5 =	smul.u32 $0x4F0, s5;
	_ =	strace $0x8000004A  }
0xa: {  	[dreg:$0x4] =	wrdreg s18;
	s20 =	sshrl.u32 s19, $0x1;
	s9 =	sor.u32 s10, s9  }
0xb: {  	s21 =	sshrl.u32 s8, $0x2;
	s6 =	sadd.s32 s7, s6;
	s22 =	smul.u32 $0x2780, s9  }
0xc: {  	s12 =	ssub.s32 s19, s20;
	s13 =	smul.u32 $0x4F0, s9;
	s7 =	sor.u32 $0x1C05, s23  }
0xd: {  	s5 =	sadd.s32 s14, s5;
	s20 =	simm.s32 $0x5;
	s23 =	simm.s32 $0x200  }
0xe: {  	s6 =	sshrl.u32 s6, $0x3;
	s12 =	smax.u32 s12, $0x1;
	s5 =	sshll.u32 s5, $0x4  }
0xf: {  	s0 =	sadd.s32 s6, s0;
	s6 =	sadd.s32 s21, s2;
	s24 =	sshrl.u32 s22, $0x3  }
0x10: {  	s8 =	sadd.s32 s16, s13;
	s10 =	sadd.s32 s1, s13;
	s25 =	sadd.s32 $0x4E0, s13  }
0x11: {  	s26 =	sadd.s32 s5, s16;
	s21 =	simm.s32 $0x80;
	s22 =	simm.s32 $0x1  }
0x12: {  	[dreg:$0x5] =	wrdreg s6;
	s9 =	sadd.s32 s16, s24;
	s11 =	sadd.s32 $0x36200, s0  }
0x13: {  	s13 =	sadd.s32 $0x4D0, s10;
	s14 =	sadd.s32 s16, s25;
	s15 =	sadd.s32 s1, s25  }
0x14: {  	s1 =	sadd.s32 s5, s1;
	s16 =	sadd.s32 $0x30, s26;
	s18 =	sadd.s32 $0x20, s26  }
0x15: {  	s24 =	simm.s32 $0x100;
	s25 =	simm.s32 $0x2;
	s26 =	simm.s32 $0x4200  }
0x16: {  	s9 =	sadd.s32 $0x10, s9;
	s17 =	sadd.s32 $0x20, s1;
	s19 =	sadd.s32 $0x10, s1  }
.LBB2_1:
0x17: {  	s0 =	rddreg [dreg:$0x5]  }
0x18: {  	s1 =	rddreg [dreg:$0x4];
	s0 =	sshrl.u32 s0, $0x3  }
0x19: {  	[spmem:s0], [sflag:s7] =	dma.local [hbm:s1], $0x2800  }
0x1a: {  	_ =	swait.ge [sflag:s20], $0x2800  }
0x1b: {  	[sflag:s20] =	ssyncset.done $0x0  }
0x1c: {  	[sflag:s20] =	ssyncadd.s32 $0xFFFFD800  }
0x1d: {  	[bflag:$0x0] =	sbarrier.arrive $0xFFFF  }
0x1e: {  	[tilespmem:s3], [sflag:$0x1] =	stream.linear.gather [hbm4b:s8+s3], $0x80, $0x38;
	[tilespmem:$0x1C200] =	vst v63  }
0x1f: {  	_ = 	snop  }
0x20: {  	[tilespmem:s21], [sflag:$0x2] =	stream.linear.gather [hbm4b:s9+s3], $0x80, $0x38;
	[tilespmem:$0x1C200] =	vst v63  }
0x21: {  	_ =	swait.ge [sflag:s22], $0x80  }
0x22: {  	[sflag:s22] =	ssyncset.done $0x0  }
0x23: {  	[sflag:s22] =	ssyncadd.s32 $0xFFFFFF80  }
0x24: {  	[tilespmem:s23], [sflag:$0x3] =	stream.indirect.gather [hbm4b:s4+s21], $0x80, s3, s21, $0xb8;
	[tilespmem:$0x1C200] =	vst v63  }
0x25: {  	_ = 	snop  }
0x26: {  	[tilespmem:s24], [sflag:$0x5] =	stream.linear.gather [hbm4b:s10+s3], $0x80, $0x38;
	[tilespmem:$0x1C200] =	vst v63  }
0x27: {  	_ =	swait.ge [sflag:s20], $0x80  }
0x28: {  	[sflag:s20] =	ssyncset.done $0x0  }
0x29: {  	[sflag:s20] =	ssyncadd.s32 $0xFFFFFF80  }
0x2a: {  	_ =	swait.ge [sflag:s25], $0x80  }
0x2b: {  	[sflag:s25] =	ssyncset.done $0x0  }
0x2c: {  	[sflag:s25] =	ssyncadd.s32 $0xFFFFFF80  }
0x2d: {  	[tilespmem:s26], [sflag:$0x4] =	stream.indirect.gather [hbm4b:s4+s21], $0x80, s21, s21, $0xb8;
	[tilespmem:$0x1C200] =	vst v63  }
0x2e: {  	s5 =	sadd.s32 $0x0, s19  }
0x2f: {  	[tilespmem:s28], [sflag:$0x5] =	stream.linear.gather [hbm4b:s5+s3], $0x80, $0x38;
	[tilespmem:$0x1C200] =	vst v63  }
0x30: {  	_ =	swait.ge [sflag:s20], $0x80  }
0x31: {  	[sflag:s20] =	ssyncset.done $0x0  }
0x32: {  	[sflag:s20] =	ssyncadd.s32 $0xFFFFFF80  }
0x33: {  	_ =	swait.ge [sflag:s29], $0x4000  }
0x34: {  	[sflag:s29] =	ssyncset.done $0x0  }
0x35: {  	s6 =	sadd.s32 $0x0, s18;
	[sflag:s29] =	ssyncadd.s32 $0xFFFFC000  }
0x36: {  	[tilespmem:s3], [sflag:$0x1] =	stream.linear.gather [hbm4b:s6+s3], $0x80, $0x38;
	[tilespmem:$0x1C200] =	vst v63  }
0x37: {  	_ = 	snop  }
0x38: {  	[spmem:s2] =	stream.indirect.scatter.add.f32 [tilespmem:s23], [sflag:$0x5], $0x80, s24, s21, $0xb8;
	[tilespmem:$0x1C200] =	vst v63  }
0x39: {  	_ =	swait.ge [sflag:s20], $0x4000  }
0x3a: {  	[sflag:s20] =	ssyncset.done $0x0  }
0x3b: {  	[sflag:s20] =	ssyncadd.s32 $0xFFFFC000  }
0x3c: {  	_ =	swait.ge [sflag:s22], $0x80  }
0x3d: {  	[sflag:s22] =	ssyncset.done $0x0  }
0x3e: {  	[sflag:s22] =	ssyncadd.s32 $0xFFFFFF80  }
0x3f: {  	[tilespmem:s23], [sflag:$0x3] =	stream.indirect.gather [hbm4b:s4+s21], $0x80, s3, s21, $0xb8;
	[tilespmem:$0x1C200] =	vst v63  }
0x40: {  	s5 =	sadd.s32 $0x0, s17  }
0x41: {  	[tilespmem:s24], [sflag:$0x5] =	stream.linear.gather [hbm4b:s5+s3], $0x80, $0x38;
	[tilespmem:$0x1C200] =	vst v63  }
0x42: {  	_ =	swait.ge [sflag:s20], $0x80  }
0x43: {  	[sflag:s20] =	ssyncset.done $0x0  }
0x44: {  	[sflag:s20] =	ssyncadd.s32 $0xFFFFFF80  }
0x45: {  	_ =	swait.ge [sflag:s30], $0x4000  }
0x46: {  	[sflag:s30] =	ssyncset.done $0x0  }
0x47: {  	s6 =	sadd.s32 $0x0, s16;
	[sflag:s30] =	ssyncadd.s32 $0xFFFFC000  }
0x48: {  	[tilespmem:s21], [sflag:$0x2] =	stream.linear.gather [hbm4b:s6+s3], $0x80, $0x38;
	[tilespmem:$0x1C200] =	vst v63  }
0x49: {  	_ = 	snop  }
0x4a: {  	[spmem:s2] =	stream.indirect.scatter.add.f32 [tilespmem:s26], [sflag:$0x5], $0x80, s28, s21, $0xb8;
	[tilespmem:$0x1C200] =	vst v63  }
0x4b: {  	_ =	swait.ge [sflag:s20], $0x4000  }
0x4c: {  	s1 =	simm.s32 $0x20;
	[sflag:s20] =	ssyncset.done $0x0  }
.LBB2_2:
0x4d: {  	p0 =	sne.s32 s1, $0x4A0  }
0x4e: {  	[sflag:s20] =	ssyncadd.s32 $0xFFFFC000;
	s5 =	smov.u32 s1;
	s1 =	sadd.s32 $0x20, s1  }
0x4f: {  	_ = 	snop  }
0x50: {  	_ =	swait.ge [sflag:s25], $0x80  }
0x51: {  	[sflag:s25] =	ssyncset.done $0x0  }
0x52: {  	[sflag:s25] =	ssyncadd.s32 $0xFFFFFF80  }
0x53: {  	[tilespmem:s26], [sflag:$0x4] =	stream.indirect.gather [hbm4b:s4+s21], $0x80, s21, s21, $0xb8;
	[tilespmem:$0x1C200] =	vst v63  }
0x54: {  	s6 =	sadd.s32 s5, s19  }
0x55: {  	[tilespmem:s28], [sflag:$0x5] =	stream.linear.gather [hbm4b:s6+s3], $0x80, $0x38;
	[tilespmem:$0x1C200] =	vst v63  }
0x56: {  	_ =	swait.ge [sflag:s20], $0x80  }
0x57: {  	[sflag:s20] =	ssyncset.done $0x0  }
0x58: {  	[sflag:s20] =	ssyncadd.s32 $0xFFFFFF80  }
0x59: {  	_ =	swait.ge [sflag:s29], $0x4000  }
0x5a: {  	[sflag:s29] =	ssyncset.done $0x0  }
0x5b: {  	s6 =	sadd.s32 s5, s18;
	[sflag:s29] =	ssyncadd.s32 $0xFFFFC000  }
0x5c: {  	[tilespmem:s3], [sflag:$0x1] =	stream.linear.gather [hbm4b:s6+s3], $0x80, $0x38;
	[tilespmem:$0x1C200] =	vst v63  }
0x5d: {  	_ = 	snop  }
0x5e: {  	[spmem:s2] =	stream.indirect.scatter.add.f32 [tilespmem:s23], [sflag:$0x5], $0x80, s24, s21, $0xb8;
	[tilespmem:$0x1C200] =	vst v63  }
0x5f: {  	_ =	swait.ge [sflag:s20], $0x4000  }
0x60: {  	[sflag:s20] =	ssyncset.done $0x0  }
0x61: {  	[sflag:s20] =	ssyncadd.s32 $0xFFFFC000  }
0x62: {  	_ =	swait.ge [sflag:s22], $0x80  }
0x63: {  	[sflag:s22] =	ssyncset.done $0x0  }
0x64: {  	[sflag:s22] =	ssyncadd.s32 $0xFFFFFF80  }
0x65: {  	[tilespmem:s23], [sflag:$0x3] =	stream.indirect.gather [hbm4b:s4+s21], $0x80, s3, s21, $0xb8;
	[tilespmem:$0x1C200] =	vst v63  }
0x66: {  	s6 =	sadd.s32 s5, s17  }
0x67: {  	[tilespmem:s24], [sflag:$0x5] =	stream.linear.gather [hbm4b:s6+s3], $0x80, $0x38;
	[tilespmem:$0x1C200] =	vst v63  }
0x68: {  	_ =	swait.ge [sflag:s20], $0x80  }
0x69: {  	[sflag:s20] =	ssyncset.done $0x0  }
0x6a: {  	[sflag:s20] =	ssyncadd.s32 $0xFFFFFF80  }
0x6b: {  	_ =	swait.ge [sflag:s30], $0x4000  }
0x6c: {  	[sflag:s30] =	ssyncset.done $0x0  }
0x6d: {  	s5 =	sadd.s32 s5, s16;
	[sflag:s30] =	ssyncadd.s32 $0xFFFFC000  }
0x6e: {  	[tilespmem:s21], [sflag:$0x2] =	stream.linear.gather [hbm4b:s5+s3], $0x80, $0x38;
	[tilespmem:$0x1C200] =	vst v63  }
.Ltmp0:
0x6f: {  	_ = 	snop;
	(pc) =	sbr.rel @p0 .LBB2_2-.Ltmp0, $4  }
0x70: {  	_ = 	snop  }
0x71: {  	[spmem:s2] =	stream.indirect.scatter.add.f32 [tilespmem:s26], [sflag:$0x5], $0x80, s28, s21, $0xb8;
	[tilespmem:$0x1C200] =	vst v63  }
0x72: {  	_ =	swait.ge [sflag:s20], $0x4000  }
0x73: {  	[sflag:s20] =	ssyncset.done $0x0  }
0x74: {  	[sflag:s20] =	ssyncadd.s32 $0xFFFFC000  }
0x75: {  	_ =	swait.ge [sflag:s25], $0x80  }
0x76: {  	[sflag:s25] =	ssyncset.done $0x0  }
0x77: {  	[sflag:s25] =	ssyncadd.s32 $0xFFFFFF80  }
0x78: {  	[tilespmem:s26], [sflag:$0x4] =	stream.indirect.gather [hbm4b:s4+s21], $0x80, s21, s21, $0xb8;
	[tilespmem:$0x1C200] =	vst v63  }
0x79: {  	_ = 	snop  }
0x7a: {  	[tilespmem:s28], [sflag:$0x5] =	stream.linear.gather [hbm4b:s13+s3], $0x80, $0x38;
	[tilespmem:$0x1C200] =	vst v63  }
0x7b: {  	_ =	swait.ge [sflag:s20], $0x80  }
0x7c: {  	[sflag:s20] =	ssyncset.done $0x0  }
0x7d: {  	[sflag:s20] =	ssyncadd.s32 $0xFFFFFF80  }
0x7e: {  	_ =	swait.ge [sflag:s29], $0x4000  }
0x7f: {  	[sflag:s29] =	ssyncset.done $0x0  }
0x80: {  	[sflag:s29] =	ssyncadd.s32 $0xFFFFC000  }
0x81: {  	[tilespmem:s3], [sflag:$0x1] =	stream.linear.gather [hbm4b:s14+s3], $0x80, $0x38;
	[tilespmem:$0x1C200] =	vst v63  }
0x82: {  	_ = 	snop  }
0x83: {  	[spmem:s2] =	stream.indirect.scatter.add.f32 [tilespmem:s23], [sflag:$0x5], $0x80, s24, s21, $0xb8;
	[tilespmem:$0x1C200] =	vst v63  }
0x84: {  	_ =	swait.ge [sflag:s20], $0x4000  }
0x85: {  	[sflag:s20] =	ssyncset.done $0x0  }
0x86: {  	[sflag:s20] =	ssyncadd.s32 $0xFFFFC000  }
0x87: {  	_ =	swait.ge [sflag:s22], $0x80  }
0x88: {  	[sflag:s22] =	ssyncset.done $0x0  }
0x89: {  	[sflag:s22] =	ssyncadd.s32 $0xFFFFFF80  }
0x8a: {  	[tilespmem:s23], [sflag:$0x3] =	stream.indirect.gather [hbm4b:s4+s21], $0x80, s3, s21, $0xb8;
	[tilespmem:$0x1C200] =	vst v63  }
0x8b: {  	_ = 	snop  }
0x8c: {  	[tilespmem:s24], [sflag:$0x5] =	stream.linear.gather [hbm4b:s15+s3], $0x80, $0x38;
	[tilespmem:$0x1C200] =	vst v63  }
0x8d: {  	_ =	swait.ge [sflag:s20], $0x80  }
0x8e: {  	[sflag:s20] =	ssyncset.done $0x0  }
0x8f: {  	[sflag:s20] =	ssyncadd.s32 $0xFFFFFF80  }
0x90: {  	_ =	swait.ge [sflag:s30], $0x4000  }
0x91: {  	[sflag:s30] =	ssyncset.done $0x0  }
0x92: {  	[sflag:s30] =	ssyncadd.s32 $0xFFFFC000  }
0x93: {  	[spmem:s2] =	stream.indirect.scatter.add.f32 [tilespmem:s26], [sflag:$0x5], $0x80, s28, s21, $0xb8;
	[tilespmem:$0x1C200] =	vst v63  }
0x94: {  	_ =	swait.ge [sflag:s20], $0x4000  }
0x95: {  	[sflag:s20] =	ssyncset.done $0x0  }
0x96: {  	[sflag:s20] =	ssyncadd.s32 $0xFFFFC000  }
0x97: {  	_ =	swait.ge [sflag:s29], $0x4000  }
0x98: {  	[sflag:s29] =	ssyncset.done $0x0  }
0x99: {  	[sflag:s29] =	ssyncadd.s32 $0xFFFFC000  }
0x9a: {  	[spmem:s2] =	stream.indirect.scatter.add.f32 [tilespmem:s23], [sflag:$0x5], $0x80, s24, s21, $0xb8;
	[tilespmem:$0x1C200] =	vst v63  }
0x9b: {  	_ =	swait.ge [sflag:s20], $0x4000  }
0x9c: {  	s31 =	sadd.s32 $0x1, s31;
	[sflag:s20] =	ssyncset.done $0x0  }
0x9d: {  	p0 =	sne.s32 s31, s12;
	[sflag:s20] =	ssyncadd.s32 $0xFFFFC000  }
.Ltmp1:
0x9e: {  	[bflag:$0x0] =	sbarrier.arrive $0xFFFF;
	(pc) =	sbr.rel @p0 .LBB2_1-.Ltmp1, $4  }
0x9f: {  	[hbm:s11], [sflag:s7] =	dma.local [spmem:s0], $0x2800  }
0xa0: {  	_ =	swait.ge [sflag:s20], $0x2800  }
0xa1: {  	[sflag:s20] =	ssyncset.done $0x0  }
0xa2: {  	[sflag:s20] =	ssyncadd.s32 $0xFFFFD800  }
0xa3: {  	_ =	sfence.sel $0x180000  }
0xa4: {  	[bflag:$0x0] =	sbarrier.arrive $0xFFFF  }
0xa5: {  	_ =	strace $0x9000004A  }
0xa6: {  	s0 =	stileid.u32;
	[bflag:$0x2] =	sbarrier.arrive $0xFFFF  }
0xa7: {  	p0 =	sne.s32 s0, $0x0;
	s0 =	rddreg [dreg:$0x3]  }
0xa8: {  	s0 =	sadd.s32 @!p0 $0x100000, s0  }
0xa9: {  	[sflag:s0] =	ssyncadd.tile.s32 @!p0 $0x1;
	_ =	shalt  }
.Lfunc_end2:
_tile_overlayer_lowered:
.L_overlay_start_2:
0xaa: {  	(tag) =	ssettag $0x2  }
0xab: {  	s0 =	rddreg [dreg:$0x0];
	s2 =	stileid.u32  }
0xac: {  	s1 =	rddreg [dreg:$0x1];
	p0 =	sne.s32 s2, $0x0  }
0xad: {  	s3 =	rddreg [dreg:$0x2];
	[bflag:$0x3] =	sbarrier.arrive $0xFFFF;
	s2 =	simm.s32 @!p0 $0x1C05  }
0xae: {  	[timem:s3], [sflag:s2] =	dma.local @!p0 [hbm:s0], s1  }
0xaf: {  	s0 =	simm.s32 @!p0 $0x5  }
0xb0: {  	_ =	swait.ge @!p0 [sflag:s0], s1  }
0xb1: {  	s1 =	ssub.s32 @!p0 $0x0, s1;
	[sflag:s0] =	ssyncset.done @!p0 $0x0  }
0xb2: {  	[sflag:s0] =	ssyncadd.s32 @!p0 s1  }
0xb3: {  	[bflag:$0x3] =	sbarrier.arrive $0xFFFF  }
0xb4: {  	_ =	shalt  }

</sc_bundles>
